<compile_context>
chip_gen: v7x
topology: tpu7x:2x2x1
jax: 0.10.2.dev20260603
libtpu: 0.0.44.dev20260713+nightly
codegen_flags: <defaults>
</compile_context>

<pallas_src>
import functools

import jax
import jax.numpy as jnp
from jax import lax
from jax.experimental import pallas as pl
from jax.experimental.pallas import tpu as pltpu
from jax.experimental.pallas import tpu_sc as plsc

N = 10000
D = 128
E = 320000
NC = 2
NS = 16
NW = NC * NS
KD = 256
NCHUNKD = E // KD
JMAXD = (NCHUNKD + NW - 1) // NW
KM = 80
NCHUNKM = E // KM
JMAXM = NCHUNKM // NW
NPAD = 10240
DEG_PER_TILE = NPAD // NS
ROWS_PER_TILE = NPAD // NS


def _fill_f32(ref, nwords, value):
    v = jnp.full((16,), value, jnp.float32)

    def body(i, c):
        ref[pl.ds(i * 16, 16)] = v
        return c

    lax.fori_loop(0, nwords // 16, body, 0)


@functools.cache
def _sc_kernels():
    mesh = plsc.VectorSubcoreMesh(core_axis_name="c", subcore_axis_name="s",
                                  num_cores=NC, num_subcores=NS)

    @functools.partial(
        pl.kernel,
        out_type=jax.ShapeDtypeStruct((NC * NPAD,), jnp.float32),
        mesh=mesh,
        scratch_types=[
            pltpu.VMEM((8, 2, 128), jnp.int32),
            pltpu.VMEM((128,), jnp.float32),
            pltpu.VMEM((DEG_PER_TILE,), jnp.float32),
            pltpu.VMEM_SHARED((NPAD,), jnp.float32),
            pltpu.SemaphoreType.DMA,
            pltpu.SemaphoreType.DMA,
        ],
    )
    def deg_kernel(ei_hbm, deg_hbm, didx, ones_v, zero_v, deg_sh,
                   sem_i, sem_s):
        cid = lax.axis_index("c")
        sid = lax.axis_index("s")
        wid = sid * NC + cid
        d0 = sid * DEG_PER_TILE
        _fill_f32(zero_v, DEG_PER_TILE, 0.0)
        _fill_f32(ones_v, 128, 1.0)
        pltpu.sync_copy(zero_v, deg_sh.at[pl.ds(d0, DEG_PER_TILE)])
        plsc.subcore_barrier()

        def valid(jj):
            return (jj >= 0) & (wid + jj * NW < NCHUNKD)

        def issue_idx(jj):
            @pl.when(valid(jj))
            def _():
                base = E + (wid + jj * NW) * KD
                s = lax.rem(jj, 8)
                pltpu.async_copy(ei_hbm.at[pl.ds(base, 128)],
                                 didx.at[s, 0], sem_i)
                pltpu.async_copy(ei_hbm.at[pl.ds(base + 128, 128)],
                                 didx.at[s, 1], sem_i)

        def wait_idx(jj):
            @pl.when(valid(jj))
            def _():
                base = E + (wid + jj * NW) * KD
                s = lax.rem(jj, 8)
                pltpu.make_async_copy(ei_hbm.at[pl.ds(base, 128)],
                                      didx.at[s, 0], sem_i).wait()
                pltpu.make_async_copy(ei_hbm.at[pl.ds(base + 128, 128)],
                                      didx.at[s, 1], sem_i).wait()

        def issue_scat(jj):
            @pl.when(valid(jj))
            def _():
                s = lax.rem(jj, 8)
                pltpu.async_copy(ones_v, deg_sh.at[didx.at[s, 0]],
                                 sem_s, add=True)
                pltpu.async_copy(ones_v, deg_sh.at[didx.at[s, 1]],
                                 sem_s, add=True)

        def wait_scat(jj):
            @pl.when(valid(jj))
            def _():
                s = lax.rem(jj, 8)
                pltpu.make_async_copy(ones_v, deg_sh.at[didx.at[s, 0]],
                                      sem_s).wait()
                pltpu.make_async_copy(ones_v, deg_sh.at[didx.at[s, 1]],
                                      sem_s).wait()

        issue_idx(0)
        issue_idx(1)

        def body(j, c):
            wait_scat(j - 4)
            wait_idx(j)
            issue_scat(j)
            issue_idx(j + 2)
            return c

        lax.fori_loop(0, JMAXD + 4, body, 0)
        plsc.subcore_barrier()
        pltpu.sync_copy(deg_sh.at[pl.ds(d0, DEG_PER_TILE)],
                        deg_hbm.at[pl.ds(cid * NPAD + d0, DEG_PER_TILE)])

    @functools.partial(
        pl.kernel,
        out_type=jax.ShapeDtypeStruct((NC, NPAD, D), jnp.float32),
        mesh=mesh,
        scratch_types=[
            pltpu.VMEM((8, KM), jnp.int32),
            pltpu.VMEM((8, KM), jnp.int32),
            pltpu.VMEM((4, KM, D), jnp.float32),
            pltpu.VMEM_SHARED((NPAD, D), jnp.float32),
            pltpu.SemaphoreType.DMA,
            pltpu.SemaphoreType.DMA,
            pltpu.SemaphoreType.DMA,
        ],
    )
    def msg_kernel(ei_hbm, hw2_hbm, acc_hbm,
                   sidx, didx, rows, acc_sh, sem_i, sem_g, sem_s):
        cid = lax.axis_index("c")
        sid = lax.axis_index("s")
        wid = sid * NC + cid
        r0 = sid * ROWS_PER_TILE

        def valid(jj):
            return (jj >= 0) & (wid + jj * NW < NCHUNKM)

        def issue_idx(jj):
            @pl.when(valid(jj))
            def _():
                base = (wid + jj * NW) * KM
                s = lax.rem(jj, 8)
                pltpu.async_copy(ei_hbm.at[pl.ds(base, KM)],
                                 sidx.at[s], sem_i)
                pltpu.async_copy(ei_hbm.at[pl.ds(E + base, KM)],
                                 didx.at[s], sem_i)

        def wait_idx(jj):
            @pl.when(valid(jj))
            def _():
                base = (wid + jj * NW) * KM
                s = lax.rem(jj, 8)
                pltpu.make_async_copy(ei_hbm.at[pl.ds(base, KM)],
                                      sidx.at[s], sem_i).wait()
                pltpu.make_async_copy(ei_hbm.at[pl.ds(E + base, KM)],
                                      didx.at[s], sem_i).wait()

        def issue_gather(jj):
            @pl.when(valid(jj))
            def _():
                pltpu.async_copy(hw2_hbm.at[sidx.at[lax.rem(jj, 8)]],
                                 rows.at[lax.rem(jj, 4)], sem_g)

        def wait_gather(jj):
            @pl.when(valid(jj))
            def _():
                pltpu.make_async_copy(hw2_hbm.at[sidx.at[lax.rem(jj, 8)]],
                                      rows.at[lax.rem(jj, 4)], sem_g).wait()

        def issue_scat(jj):
            @pl.when(valid(jj))
            def _():
                pltpu.async_copy(rows.at[lax.rem(jj, 4)],
                                 acc_sh.at[didx.at[lax.rem(jj, 8)]],
                                 sem_s, add=True)

        def wait_scat(jj):
            @pl.when(valid(jj))
            def _():
                pltpu.make_async_copy(rows.at[lax.rem(jj, 4)],
                                      acc_sh.at[didx.at[lax.rem(jj, 8)]],
                                      sem_s).wait()

        issue_idx(0)
        issue_idx(1)

        @pl.when(cid == 0)
        def _():
            pltpu.sync_copy(hw2_hbm.at[pl.ds(r0, ROWS_PER_TILE)],
                            acc_sh.at[pl.ds(r0, ROWS_PER_TILE)])

        @pl.when(cid != 0)
        def _():
            zv = jnp.zeros((16,), jnp.float32)

            def zb(i, c):
                rows[0, i // 8, pl.ds(lax.rem(i, 8) * 16, 16)] = zv
                return c

            lax.fori_loop(0, KM * 8, zb, 0)
            for t in range(NPAD // NS // KM):
                pltpu.sync_copy(rows.at[0],
                                acc_sh.at[pl.ds(r0 + t * KM, KM)])

        plsc.subcore_barrier()

        def body(j, c):
            wait_scat(j - 4)
            wait_idx(j)
            issue_gather(j)
            wait_gather(j - 2)
            issue_scat(j - 2)
            issue_idx(j + 2)
            return c

        lax.fori_loop(0, JMAXM + 6, body, 0)
        plsc.subcore_barrier()
        pltpu.sync_copy(acc_sh.at[pl.ds(r0, ROWS_PER_TILE)],
                        acc_hbm.at[cid, pl.ds(r0, ROWS_PER_TILE)])

    return deg_kernel, msg_kernel


def _dense_body(x_ref, w_ref, g_ref, bt_ref, degf_ref, hw2_ref, dis_ref):
    x = x_ref[...]
    mean = jnp.mean(x, axis=0, keepdims=True)
    var = jnp.mean((x - mean) ** 2, axis=0, keepdims=True)
    h = (x - mean) * lax.rsqrt(var + 1e-5) * g_ref[...] + bt_ref[...]
    hw = jnp.dot(h, w_ref[...], preferred_element_type=jnp.float32)
    degf = degf_ref[...]
    deg_row = (degf[:NPAD] + degf[NPAD:] + 1.0).reshape(1, NPAD)
    dis = lax.rsqrt(jnp.transpose(deg_row)[:N])
    hw2_ref[pl.ds(0, N)] = hw * dis
    dis_ref[...] = dis


_dense_call = pl.pallas_call(
    _dense_body,
    out_shape=[
        jax.ShapeDtypeStruct((NPAD, D), jnp.float32),
        jax.ShapeDtypeStruct((N, 1), jnp.float32),
    ],
)

def _flat_body(ei_ref, out_ref):
    out_ref[pl.ds(0, E)] = ei_ref[0]
    out_ref[pl.ds(E, E)] = ei_ref[1]


_flat_call = pl.pallas_call(
    _flat_body,
    out_shape=jax.ShapeDtypeStruct((2 * E,), jnp.int32),
)


BR = 2000


def _out_body(acc_ref, dis_ref, b_ref, x_ref, y_ref):
    s = acc_ref[0] + acc_ref[1]
    o = jnp.maximum(s * dis_ref[...] + b_ref[...], 0.0)
    y_ref[...] = jnp.concatenate([o, x_ref[...]], axis=1)


_out_call = pl.pallas_call(
    _out_body,
    grid=(N // BR,),
    in_specs=[
        pl.BlockSpec((NC, BR, D), lambda i: (0, i, 0)),
        pl.BlockSpec((BR, 1), lambda i: (i, 0)),
        pl.BlockSpec((D,), lambda i: (0,)),
        pl.BlockSpec((BR, D), lambda i: (i, 0)),
    ],
    out_specs=pl.BlockSpec((BR, 2 * D), lambda i: (i, 0)),
    out_shape=jax.ShapeDtypeStruct((N, 2 * D), jnp.float32),
)


def kernel(x, edge_index, gamma, beta, W, b):
    deg_call, msg_call = _sc_kernels()
    ei = _flat_call(edge_index.astype(jnp.int32))
    degf = deg_call(ei)
    hw2, dis = _dense_call(x, W, gamma, beta, degf)
    acc = msg_call(ei, hw2)
    return _out_call(acc, dis, b, x)

# --- scband reference (transcript-rebuilt; emitter-appended) ---
"""Pipeline reference for scband-gcnblock-20547123544328 (READ-ONLY COPY).

The authoritative reference and input builder live on the scoring server;
editing this copy changes nothing except your own understanding.
"""

import jax, jax.numpy as jnp
import numpy as np

N_NODES = 10000
N_EDGES = 320000
D = 128

def setup_inputs(seed: int = 0) -> dict:
    key = jax.random.key(seed)
    k1, k2, k3 = jax.random.split(key, 3)
    x = jax.random.normal(k1, (N_NODES, D), dtype=jnp.float32)
    edge_index = jax.random.randint(k2, (2, N_EDGES), 0, N_NODES, dtype=jnp.int64)
    gamma = jnp.ones((D,), dtype=jnp.float32)
    beta = jnp.zeros((D,), dtype=jnp.float32)
    W = jax.random.normal(k3, (D, D), dtype=jnp.float32) * 0.05
    b = jnp.zeros((D,), dtype=jnp.float32)
    return {"x": x, "edge_index": edge_index, "gamma": gamma, "beta": beta, "W": W, "b": b}

def reference(x, edge_index, gamma, beta, W, b):
    N = x.shape[0]
    # BatchNorm1d (training-mode batch statistics, eps=1e-5)
    mean = jnp.mean(x, axis=0)
    var = jnp.var(x, axis=0)
    h = (x - mean) / jnp.sqrt(var + 1e-5) * gamma + beta
    # GCNConv: add self-loops, symmetric normalization
    loops = jnp.arange(N, dtype=edge_index.dtype)
    src = jnp.concatenate([edge_index[0], loops])
    dst = jnp.concatenate([edge_index[1], loops])
    deg = jax.ops.segment_sum(jnp.ones_like(dst, dtype=h.dtype), dst, num_segments=N)
    deg_inv_sqrt = jnp.where(deg > 0, 1.0 / jnp.sqrt(deg), 0.0)
    norm = deg_inv_sqrt[src] * deg_inv_sqrt[dst]
    hw = h @ W
    msg = hw[src] * norm[:, None]
    agg = jax.ops.segment_sum(msg, dst, num_segments=N) + b
    out = jax.nn.relu(agg)
    return jnp.concatenate([out, x], axis=1)

if __name__ == "__main__":
    import jax
    _d = setup_inputs()
    print(jax.jit(kernel)(*tuple(_d.values())))

</pallas_src>

<mosaic_0001>
#map = affine_map<(d0, d1) -> (0)>
#map1 = affine_map<(d0, d1) -> (0, 0)>
#map2 = affine_map<(d0, d1) -> (0, 0, 0)>
module attributes {stable_mosaic.version = 14 : i64} {
  func.func @msg_kernel(%arg0: i32, %arg1: i32, %arg2: memref<640000xi32, #tpu.memory_space<hbm>>, %arg3: memref<10240x128xf32, #tpu.memory_space<hbm>>, %arg4: memref<2x10240x128xf32, #tpu.memory_space<hbm>>, %arg5: memref<8x80xi32, #tpu.memory_space<vmem>>, %arg6: memref<8x80xi32, #tpu.memory_space<vmem>>, %arg7: memref<4x80x128xf32, #tpu.memory_space<vmem>>, %arg8: memref<10240x128xf32, #tpu.memory_space<vmem_shared>>, %arg9: memref<!tpu.dma_semaphore, #tpu.memory_space<semaphore_mem>>, %arg10: memref<!tpu.dma_semaphore, #tpu.memory_space<semaphore_mem>>, %arg11: memref<!tpu.dma_semaphore, #tpu.memory_space<semaphore_mem>>) attributes {dimension_semantics = [#tpu.dimension_semantics<core_parallel>, #tpu.dimension_semantics<subcore_parallel>], iteration_bounds = array<i64: 2, 16>, scalar_prefetch = 0 : i64, scratch_operands = 7 : i64, tpu.core_type = #tpu.core_type<sc_vector_subcore>, window_params = [{transform_indices = #map}, {transform_indices = #map1}, {transform_indices = #map2}]} {
    %mul3A = arith.constant 2 : i32
    %mul3A_0 = arith.muli %arg1, %mul3A : i32
    %add3A = arith.addi %mul3A_0, %arg0 : i32
    %mul3A_1 = arith.constant 640 : i32
    %mul3A_2 = arith.muli %arg1, %mul3A_1 : i32
    %add3A_3 = arith.constant 0 : i32
    %add3A_4 = arith.addi %add3A, %add3A_3 : i32
    %lt3A = arith.constant 4000 : i32
    %lt3A_5 = arith.cmpi slt, %add3A_4, %lt3A : i32
    %and3A = arith.constant true
    %and3A_6 = arith.andi %and3A, %lt3A_5 : i1
    %convert_element_type3A = arith.extui %and3A_6 : i1 to i32
    %cond3A = arith.constant 0 : i32
    %cond3A_7 = arith.cmpi ne, %convert_element_type3A, %cond3A : i32
    scf.if %cond3A_7 {
      %add3A_31 = arith.constant 0 : i32
      %add3A_32 = arith.addi %add3A, %add3A_31 : i32
      %mul3A_33 = arith.constant 80 : i32
      %mul3A_34 = arith.muli %add3A_32, %mul3A_33 : i32
      %rem3A = arith.constant 0 : i32
      %rem3A_35 = arith.constant 8 : i32
      %rem3A_36 = arith.remsi %rem3A, %rem3A_35 : i32
      %dma_start3A = arith.constant 0 : i32
      %dma_start3A_37 = tpu.memref_slice %arg5[%rem3A_36, %dma_start3A] : memref<8x80xi32, #tpu.memory_space<vmem>> -> memref<1x80xi32, #tpu.memory_space<vmem>>
      %dma_start3A_38 = tpu.memref_squeeze %dma_start3A_37 : memref<1x80xi32, #tpu.memory_space<vmem>> -> memref<80xi32, #tpu.memory_space<vmem>>
      %dma_start3A_39 = tpu.memref_slice %arg2[%mul3A_34] : memref<640000xi32, #tpu.memory_space<hbm>> -> memref<80xi32, #tpu.memory_space<hbm>>
      %dma_start3A_40 = arith.constant 0 : i32
      %dma_start3A_41 = tpu.memref_slice %arg5[%rem3A_36, %dma_start3A_40] : memref<8x80xi32, #tpu.memory_space<vmem>> -> memref<1x80xi32, #tpu.memory_space<vmem>>
      %dma_start3A_42 = tpu.memref_squeeze %dma_start3A_41 : memref<1x80xi32, #tpu.memory_space<vmem>> -> memref<80xi32, #tpu.memory_space<vmem>>
      %dma_start3A_43 = tpu.memref_slice %arg2[%mul3A_34] : memref<640000xi32, #tpu.memory_space<hbm>> -> memref<80xi32, #tpu.memory_space<hbm>>
      tpu.enqueue_dma source(%dma_start3A_43 : memref<80xi32, #tpu.memory_space<hbm>>) target(%dma_start3A_42 : memref<80xi32, #tpu.memory_space<vmem>>) target_semaphore(%arg9 : memref<!tpu.dma_semaphore, #tpu.memory_space<semaphore_mem>>)
      %add3A_44 = arith.constant 320000 : i32
      %add3A_45 = arith.addi %add3A_44, %mul3A_34 : i32
      %dma_start3A_46 = arith.constant 0 : i32
      %dma_start3A_47 = tpu.memref_slice %arg6[%rem3A_36, %dma_start3A_46] : memref<8x80xi32, #tpu.memory_space<vmem>> -> memref<1x80xi32, #tpu.memory_space<vmem>>
      %dma_start3A_48 = tpu.memref_squeeze %dma_start3A_47 : memref<1x80xi32, #tpu.memory_space<vmem>> -> memref<80xi32, #tpu.memory_space<vmem>>
      %dma_start3A_49 = tpu.memref_slice %arg2[%add3A_45] : memref<640000xi32, #tpu.memory_space<hbm>> -> memref<80xi32, #tpu.memory_space<hbm>>
      %dma_start3A_50 = arith.constant 0 : i32
      %dma_start3A_51 = tpu.memref_slice %arg6[%rem3A_36, %dma_start3A_50] : memref<8x80xi32, #tpu.memory_space<vmem>> -> memref<1x80xi32, #tpu.memory_space<vmem>>
      %dma_start3A_52 = tpu.memref_squeeze %dma_start3A_51 : memref<1x80xi32, #tpu.memory_space<vmem>> -> memref<80xi32, #tpu.memory_space<vmem>>
      %dma_start3A_53 = tpu.memref_slice %arg2[%add3A_45] : memref<640000xi32, #tpu.memory_space<hbm>> -> memref<80xi32, #tpu.memory_space<hbm>>
      tpu.enqueue_dma source(%dma_start3A_53 : memref<80xi32, #tpu.memory_space<hbm>>) target(%dma_start3A_52 : memref<80xi32, #tpu.memory_space<vmem>>) target_semaphore(%arg9 : memref<!tpu.dma_semaphore, #tpu.memory_space<semaphore_mem>>)
    } else {
    }
    %add3A_8 = arith.constant 32 : i32
    %add3A_9 = arith.addi %add3A, %add3A_8 : i32
    %lt3A_10 = arith.constant 4000 : i32
    %lt3A_11 = arith.cmpi slt, %add3A_9, %lt3A_10 : i32
    %and3A_12 = arith.constant true
    %and3A_13 = arith.andi %and3A_12, %lt3A_11 : i1
    %convert_element_type3A_14 = arith.extui %and3A_13 : i1 to i32
    %cond3A_15 = arith.constant 0 : i32
    %cond3A_16 = arith.cmpi ne, %convert_element_type3A_14, %cond3A_15 : i32
    scf.if %cond3A_16 {
      %add3A_31 = arith.constant 32 : i32
      %add3A_32 = arith.addi %add3A, %add3A_31 : i32
      %mul3A_33 = arith.constant 80 : i32
      %mul3A_34 = arith.muli %add3A_32, %mul3A_33 : i32
      %rem3A = arith.constant 1 : i32
      %rem3A_35 = arith.constant 8 : i32
      %rem3A_36 = arith.remsi %rem3A, %rem3A_35 : i32
      %dma_start3A = arith.constant 0 : i32
      %dma_start3A_37 = tpu.memref_slice %arg5[%rem3A_36, %dma_start3A] : memref<8x80xi32, #tpu.memory_space<vmem>> -> memref<1x80xi32, #tpu.memory_space<vmem>>
      %dma_start3A_38 = tpu.memref_squeeze %dma_start3A_37 : memref<1x80xi32, #tpu.memory_space<vmem>> -> memref<80xi32, #tpu.memory_space<vmem>>
      %dma_start3A_39 = tpu.memref_slice %arg2[%mul3A_34] : memref<640000xi32, #tpu.memory_space<hbm>> -> memref<80xi32, #tpu.memory_space<hbm>>
      %dma_start3A_40 = arith.constant 0 : i32
      %dma_start3A_41 = tpu.memref_slice %arg5[%rem3A_36, %dma_start3A_40] : memref<8x80xi32, #tpu.memory_space<vmem>> -> memref<1x80xi32, #tpu.memory_space<vmem>>
      %dma_start3A_42 = tpu.memref_squeeze %dma_start3A_41 : memref<1x80xi32, #tpu.memory_space<vmem>> -> memref<80xi32, #tpu.memory_space<vmem>>
      %dma_start3A_43 = tpu.memref_slice %arg2[%mul3A_34] : memref<640000xi32, #tpu.memory_space<hbm>> -> memref<80xi32, #tpu.memory_space<hbm>>
      tpu.enqueue_dma source(%dma_start3A_43 : memref<80xi32, #tpu.memory_space<hbm>>) target(%dma_start3A_42 : memref<80xi32, #tpu.memory_space<vmem>>) target_semaphore(%arg9 : memref<!tpu.dma_semaphore, #tpu.memory_space<semaphore_mem>>)
      %add3A_44 = arith.constant 320000 : i32
      %add3A_45 = arith.addi %add3A_44, %mul3A_34 : i32
      %dma_start3A_46 = arith.constant 0 : i32
      %dma_start3A_47 = tpu.memref_slice %arg6[%rem3A_36, %dma_start3A_46] : memref<8x80xi32, #tpu.memory_space<vmem>> -> memref<1x80xi32, #tpu.memory_space<vmem>>
      %dma_start3A_48 = tpu.memref_squeeze %dma_start3A_47 : memref<1x80xi32, #tpu.memory_space<vmem>> -> memref<80xi32, #tpu.memory_space<vmem>>
      %dma_start3A_49 = tpu.memref_slice %arg2[%add3A_45] : memref<640000xi32, #tpu.memory_space<hbm>> -> memref<80xi32, #tpu.memory_space<hbm>>
      %dma_start3A_50 = arith.constant 0 : i32
      %dma_start3A_51 = tpu.memref_slice %arg6[%rem3A_36, %dma_start3A_50] : memref<8x80xi32, #tpu.memory_space<vmem>> -> memref<1x80xi32, #tpu.memory_space<vmem>>
      %dma_start3A_52 = tpu.memref_squeeze %dma_start3A_51 : memref<1x80xi32, #tpu.memory_space<vmem>> -> memref<80xi32, #tpu.memory_space<vmem>>
      %dma_start3A_53 = tpu.memref_slice %arg2[%add3A_45] : memref<640000xi32, #tpu.memory_space<hbm>> -> memref<80xi32, #tpu.memory_space<hbm>>
      tpu.enqueue_dma source(%dma_start3A_53 : memref<80xi32, #tpu.memory_space<hbm>>) target(%dma_start3A_52 : memref<80xi32, #tpu.memory_space<vmem>>) target_semaphore(%arg9 : memref<!tpu.dma_semaphore, #tpu.memory_space<semaphore_mem>>)
    } else {
    }
    %eq3A = arith.constant 0 : i32
    %eq3A_17 = arith.cmpi eq, %arg0, %eq3A : i32
    %convert_element_type3A_18 = arith.extui %eq3A_17 : i1 to i32
    %cond3A_19 = arith.constant 0 : i32
    %cond3A_20 = arith.cmpi ne, %convert_element_type3A_18, %cond3A_19 : i32
    scf.if %cond3A_20 {
      "tpu.region"() ({
        %run_scoped3A = tpu.sem_alloc : memref<!tpu.dma_semaphore, #tpu.memory_space<semaphore_mem>>
        %dma_start3A = arith.constant 0 : i32
        %dma_start3A_31 = tpu.memref_slice %arg8[%mul3A_2, %dma_start3A] : memref<10240x128xf32, #tpu.memory_space<vmem_shared>> -> memref<640x128xf32, #tpu.memory_space<vmem_shared>>
        %dma_start3A_32 = arith.constant 0 : i32
        %dma_start3A_33 = tpu.memref_slice %arg3[%mul3A_2, %dma_start3A_32] : memref<10240x128xf32, #tpu.memory_space<hbm>> -> memref<640x128xf32, #tpu.memory_space<hbm>>
        tpu.enqueue_dma source(%dma_start3A_33 : memref<640x128xf32, #tpu.memory_space<hbm>>) target(%dma_start3A_31 : memref<640x128xf32, #tpu.memory_space<vmem_shared>>) target_semaphore(%run_scoped3A : memref<!tpu.dma_semaphore, #tpu.memory_space<semaphore_mem>>)
        %dma_wait3A = arith.constant 0 : i32
        %dma_wait3A_34 = tpu.memref_slice %arg8[%mul3A_2, %dma_wait3A] : memref<10240x128xf32, #tpu.memory_space<vmem_shared>> -> memref<640x128xf32, #tpu.memory_space<vmem_shared>>
        %dma_wait3A_35 = arith.constant 0 : i32
        %dma_wait3A_36 = tpu.memref_slice %arg3[%mul3A_2, %dma_wait3A_35] : memref<10240x128xf32, #tpu.memory_space<hbm>> -> memref<640x128xf32, #tpu.memory_space<hbm>>
        tpu.wait_dma2 semaphore(%run_scoped3A : memref<!tpu.dma_semaphore, #tpu.memory_space<semaphore_mem>>) src(%dma_wait3A_36 : memref<640x128xf32, #tpu.memory_space<hbm>>) dst(%dma_wait3A_34 : memref<640x128xf32, #tpu.memory_space<vmem_shared>>)
        tpu.yield
      }) : () -> ()
    } else {
    }
    %ne3A = arith.constant 0 : i32
    %ne3A_21 = arith.cmpi ne, %arg0, %ne3A : i32
    %convert_element_type3A_22 = arith.extui %ne3A_21 : i1 to i32
    %cond3A_23 = arith.constant 0 : i32
    %cond3A_24 = arith.cmpi ne, %convert_element_type3A_22, %cond3A_23 : i32
    scf.if %cond3A_24 {
      %broadcast_in_dim3A = arith.constant 0.000000e+00 : f32
      %broadcast_in_dim3A_31 = vector.broadcast %broadcast_in_dim3A : f32 to vector<16xf32>
      %scan3A_32 = arith.constant 0 : i32
      %scan3A_33 = arith.constant 0 : i32
      %scan3A_34 = arith.constant 640 : i32
      %scan3A_35 = arith.addi %scan3A_33, %scan3A_34 : i32
      %scan3A_36 = arith.constant 1 : i32
      scf.for %scan3A_61 = %scan3A_33 to %scan3A_35 step %scan3A_36  : i32 {
        %jit3A = arith.constant 8 : i32
        %div3A = arith.divsi %scan3A_61, %jit3A : i32
        %sign3A = arith.constant 0 : i32
        %sign3A_62 = arith.cmpi sgt, %scan3A_61, %sign3A : i32
        %sign3A_63 = arith.extui %sign3A_62 : i1 to i32
        %sign3A_64 = arith.constant 0 : i32
        %sign3A_65 = arith.cmpi slt, %scan3A_61, %sign3A_64 : i32
        %sign3A_66 = arith.extui %sign3A_65 : i1 to i32
        %sign3A_67 = arith.subi %sign3A_63, %sign3A_66 : i32
        %sign3A_68 = arith.constant 0 : i32
        %sign3A_69 = arith.cmpi sgt, %jit3A, %sign3A_68 : i32
        %sign3A_70 = arith.extui %sign3A_69 : i1 to i32
        %sign3A_71 = arith.constant 0 : i32
        %sign3A_72 = arith.cmpi slt, %jit3A, %sign3A_71 : i32
        %sign3A_73 = arith.extui %sign3A_72 : i1 to i32
        %sign3A_74 = arith.subi %sign3A_70, %sign3A_73 : i32
        %ne3A_75 = arith.cmpi ne, %sign3A_67, %sign3A_74 : i32
        %rem3A = arith.remsi %scan3A_61, %jit3A : i32
        %ne3A_76 = arith.constant 0 : i32
        %ne3A_77 = arith.cmpi ne, %rem3A, %ne3A_76 : i32
        %and3A_78 = arith.andi %ne3A_75, %ne3A_77 : i1
        %sub3A = arith.constant 1 : i32
        %sub3A_79 = arith.subi %div3A, %sub3A : i32
        %select_n3A = arith.select %and3A_78, %sub3A_79, %div3A : i32
        %rem3A_80 = arith.constant 8 : i32
        %rem3A_81 = arith.remsi %scan3A_61, %rem3A_80 : i32
        %mul3A_82 = arith.constant 16 : i32
        %mul3A_83 = arith.muli %rem3A_81, %mul3A_82 : i32
        %swap3A = arith.constant 0 : i32
        %swap3A_84 = arith.index_cast %swap3A : i32 to index
        %swap3A_85 = arith.index_cast %select_n3A : i32 to index
        %swap3A_86 = arith.index_cast %mul3A_83 : i32 to index
        %swap3A_87 = tpu.vector_load %arg7[%swap3A_84, %swap3A_85, %swap3A_86] {strides = array<i32>} : memref<4x80x128xf32, #tpu.memory_space<vmem>>, vector<1x1x16xf32>,
        %swap3A_88 = vector.shape_cast %swap3A_87 : vector<1x1x16xf32> to vector<16xf32>
        %swap3A_89 = vector.shape_cast %broadcast_in_dim3A_31 : vector<16xf32> to vector<1x1x16xf32>
        tpu.vector_store %arg7[%swap3A_84, %swap3A_85, %swap3A_86], %swap3A_89 {strides = array<i32>} : memref<4x80x128xf32, #tpu.memory_space<vmem>>, vector<1x1x16xf32>,
      }
      %scan3A_37 = arith.constant 640 : i32
      %add3A_38 = arith.constant 0 : i32
      %add3A_39 = arith.addi %mul3A_2, %add3A_38 : i32
      %run_scoped3A = arith.constant 0 : i32
      "tpu.region"() ({
        %run_scoped3A_61 = tpu.sem_alloc : memref<!tpu.dma_semaphore, #tpu.memory_space<semaphore_mem>>
        %dma_start3A = arith.constant 0 : i32
        %dma_start3A_62 = arith.constant 0 : i32
        %dma_start3A_63 = tpu.memref_slice %arg7[%run_scoped3A, %dma_start3A, %dma_start3A_62] : memref<4x80x128xf32, #tpu.memory_space<vmem>> -> memref<1x80x128xf32, #tpu.memory_space<vmem>>
        %dma_start3A_64 = tpu.memref_squeeze %dma_start3A_63 : memref<1x80x128xf32, #tpu.memory_space<vmem>> -> memref<80x128xf32, #tpu.memory_space<vmem>>
        %dma_start3A_65 = arith.constant 0 : i32
        %dma_start3A_66 = tpu.memref_slice %arg8[%add3A_39, %dma_start3A_65] : memref<10240x128xf32, #tpu.memory_space<vmem_shared>> -> memref<80x128xf32, #tpu.memory_space<vmem_shared>>
        %dma_start3A_67 = arith.constant 0 : i32
        %dma_start3A_68 = tpu.memref_slice %arg8[%add3A_39, %dma_start3A_67] : memref<10240x128xf32, #tpu.memory_space<vmem_shared>> -> memref<80x128xf32, #tpu.memory_space<vmem_shared>>
        %dma_start3A_69 = arith.constant 0 : i32
        %dma_start3A_70 = arith.constant 0 : i32
        %dma_start3A_71 = tpu.memref_slice %arg7[%run_scoped3A, %dma_start3A_69, %dma_start3A_70] : memref<4x80x128xf32, #tpu.memory_space<vmem>> -> memref<1x80x128xf32, #tpu.memory_space<vmem>>
        %dma_start3A_72 = tpu.memref_squeeze %dma_start3A_71 : memref<1x80x128xf32, #tpu.memory_space<vmem>> -> memref<80x128xf32, #tpu.memory_space<vmem>>
        tpu.enqueue_dma source(%dma_start3A_72 : memref<80x128xf32, #tpu.memory_space<vmem>>) target(%dma_start3A_68 : memref<80x128xf32, #tpu.memory_space<vmem_shared>>) target_semaphore(%run_scoped3A_61 : memref<!tpu.dma_semaphore, #tpu.memory_space<semaphore_mem>>)
        %dma_wait3A = arith.constant 0 : i32
        %dma_wait3A_73 = arith.constant 0 : i32
        %dma_wait3A_74 = tpu.memref_slice %arg7[%run_scoped3A, %dma_wait3A, %dma_wait3A_73] : memref<4x80x128xf32, #tpu.memory_space<vmem>> -> memref<1x80x128xf32, #tpu.memory_space<vmem>>
        %dma_wait3A_75 = tpu.memref_squeeze %dma_wait3A_74 : memref<1x80x128xf32, #tpu.memory_space<vmem>> -> memref<80x128xf32, #tpu.memory_space<vmem>>
        %dma_wait3A_76 = arith.constant 0 : i32
        %dma_wait3A_77 = tpu.memref_slice %arg8[%add3A_39, %dma_wait3A_76] : memref<10240x128xf32, #tpu.memory_space<vmem_shared>> -> memref<80x128xf32, #tpu.memory_space<vmem_shared>>
        %dma_wait3A_78 = arith.constant 0 : i32
        %dma_wait3A_79 = tpu.memref_slice %arg8[%add3A_39, %dma_wait3A_78] : memref<10240x128xf32, #tpu.memory_space<vmem_shared>> -> memref<80x128xf32, #tpu.memory_space<vmem_shared>>
        %dma_wait3A_80 = arith.constant 0 : i32
        %dma_wait3A_81 = arith.constant 0 : i32
        %dma_wait3A_82 = tpu.memref_slice %arg7[%run_scoped3A, %dma_wait3A_80, %dma_wait3A_81] : memref<4x80x128xf32, #tpu.memory_space<vmem>> -> memref<1x80x128xf32, #tpu.memory_space<vmem>>
        %dma_wait3A_83 = tpu.memref_squeeze %dma_wait3A_82 : memref<1x80x128xf32, #tpu.memory_space<vmem>> -> memref<80x128xf32, #tpu.memory_space<vmem>>
        tpu.wait_dma2 semaphore(%run_scoped3A_61 : memref<!tpu.dma_semaphore, #tpu.memory_space<semaphore_mem>>) src(%dma_wait3A_83 : memref<80x128xf32, #tpu.memory_space<vmem>>) dst(%dma_wait3A_79 : memref<80x128xf32, #tpu.memory_space<vmem_shared>>)
        tpu.yield
      }) : () -> ()
      %add3A_40 = arith.constant 80 : i32
      %add3A_41 = arith.addi %mul3A_2, %add3A_40 : i32
      %run_scoped3A_42 = arith.constant 0 : i32
      "tpu.region"() ({
        %run_scoped3A_61 = tpu.sem_alloc : memref<!tpu.dma_semaphore, #tpu.memory_space<semaphore_mem>>
        %dma_start3A = arith.constant 0 : i32
        %dma_start3A_62 = arith.constant 0 : i32
        %dma_start3A_63 = tpu.memref_slice %arg7[%run_scoped3A_42, %dma_start3A, %dma_start3A_62] : memref<4x80x128xf32, #tpu.memory_space<vmem>> -> memref<1x80x128xf32, #tpu.memory_space<vmem>>
        %dma_start3A_64 = tpu.memref_squeeze %dma_start3A_63 : memref<1x80x128xf32, #tpu.memory_space<vmem>> -> memref<80x128xf32, #tpu.memory_space<vmem>>
        %dma_start3A_65 = arith.constant 0 : i32
        %dma_start3A_66 = tpu.memref_slice %arg8[%add3A_41, %dma_start3A_65] : memref<10240x128xf32, #tpu.memory_space<vmem_shared>> -> memref<80x128xf32, #tpu.memory_space<vmem_shared>>
        %dma_start3A_67 = arith.constant 0 : i32
        %dma_start3A_68 = tpu.memref_slice %arg8[%add3A_41, %dma_start3A_67] : memref<10240x128xf32, #tpu.memory_space<vmem_shared>> -> memref<80x128xf32, #tpu.memory_space<vmem_shared>>
        %dma_start3A_69 = arith.constant 0 : i32
        %dma_start3A_70 = arith.constant 0 : i32
        %dma_start3A_71 = tpu.memref_slice %arg7[%run_scoped3A_42, %dma_start3A_69, %dma_start3A_70] : memref<4x80x128xf32, #tpu.memory_space<vmem>> -> memref<1x80x128xf32, #tpu.memory_space<vmem>>
        %dma_start3A_72 = tpu.memref_squeeze %dma_start3A_71 : memref<1x80x128xf32, #tpu.memory_space<vmem>> -> memref<80x128xf32, #tpu.memory_space<vmem>>
        tpu.enqueue_dma source(%dma_start3A_72 : memref<80x128xf32, #tpu.memory_space<vmem>>) target(%dma_start3A_68 : memref<80x128xf32, #tpu.memory_space<vmem_shared>>) target_semaphore(%run_scoped3A_61 : memref<!tpu.dma_semaphore, #tpu.memory_space<semaphore_mem>>)
        %dma_wait3A = arith.constant 0 : i32
        %dma_wait3A_73 = arith.constant 0 : i32
        %dma_wait3A_74 = tpu.memref_slice %arg7[%run_scoped3A_42, %dma_wait3A, %dma_wait3A_73] : memref<4x80x128xf32, #tpu.memory_space<vmem>> -> memref<1x80x128xf32, #tpu.memory_space<vmem>>
        %dma_wait3A_75 = tpu.memref_squeeze %dma_wait3A_74 : memref<1x80x128xf32, #tpu.memory_space<vmem>> -> memref<80x128xf32, #tpu.memory_space<vmem>>
        %dma_wait3A_76 = arith.constant 0 : i32
        %dma_wait3A_77 = tpu.memref_slice %arg8[%add3A_41, %dma_wait3A_76] : memref<10240x128xf32, #tpu.memory_space<vmem_shared>> -> memref<80x128xf32, #tpu.memory_space<vmem_shared>>
        %dma_wait3A_78 = arith.constant 0 : i32
        %dma_wait3A_79 = tpu.memref_slice %arg8[%add3A_41, %dma_wait3A_78] : memref<10240x128xf32, #tpu.memory_space<vmem_shared>> -> memref<80x128xf32, #tpu.memory_space<vmem_shared>>
        %dma_wait3A_80 = arith.constant 0 : i32
        %dma_wait3A_81 = arith.constant 0 : i32
        %dma_wait3A_82 = tpu.memref_slice %arg7[%run_scoped3A_42, %dma_wait3A_80, %dma_wait3A_81] : memref<4x80x128xf32, #tpu.memory_space<vmem>> -> memref<1x80x128xf32, #tpu.memory_space<vmem>>
        %dma_wait3A_83 = tpu.memref_squeeze %dma_wait3A_82 : memref<1x80x128xf32, #tpu.memory_space<vmem>> -> memref<80x128xf32, #tpu.memory_space<vmem>>
        tpu.wait_dma2 semaphore(%run_scoped3A_61 : memref<!tpu.dma_semaphore, #tpu.memory_space<semaphore_mem>>) src(%dma_wait3A_83 : memref<80x128xf32, #tpu.memory_space<vmem>>) dst(%dma_wait3A_79 : memref<80x128xf32, #tpu.memory_space<vmem_shared>>)
        tpu.yield
      }) : () -> ()
      %add3A_43 = arith.constant 160 : i32
      %add3A_44 = arith.addi %mul3A_2, %add3A_43 : i32
      %run_scoped3A_45 = arith.constant 0 : i32
      "tpu.region"() ({
        %run_scoped3A_61 = tpu.sem_alloc : memref<!tpu.dma_semaphore, #tpu.memory_space<semaphore_mem>>
        %dma_start3A = arith.constant 0 : i32
        %dma_start3A_62 = arith.constant 0 : i32
        %dma_start3A_63 = tpu.memref_slice %arg7[%run_scoped3A_45, %dma_start3A, %dma_start3A_62] : memref<4x80x128xf32, #tpu.memory_space<vmem>> -> memref<1x80x128xf32, #tpu.memory_space<vmem>>
        %dma_start3A_64 = tpu.memref_squeeze %dma_start3A_63 : memref<1x80x128xf32, #tpu.memory_space<vmem>> -> memref<80x128xf32, #tpu.memory_space<vmem>>
        %dma_start3A_65 = arith.constant 0 : i32
        %dma_start3A_66 = tpu.memref_slice %arg8[%add3A_44, %dma_start3A_65] : memref<10240x128xf32, #tpu.memory_space<vmem_shared>> -> memref<80x128xf32, #tpu.memory_space<vmem_shared>>
        %dma_start3A_67 = arith.constant 0 : i32
        %dma_start3A_68 = tpu.memref_slice %arg8[%add3A_44, %dma_start3A_67] : memref<10240x128xf32, #tpu.memory_space<vmem_shared>> -> memref<80x128xf32, #tpu.memory_space<vmem_shared>>
        %dma_start3A_69 = arith.constant 0 : i32
        %dma_start3A_70 = arith.constant 0 : i32
        %dma_start3A_71 = tpu.memref_slice %arg7[%run_scoped3A_45, %dma_start3A_69, %dma_start3A_70] : memref<4x80x128xf32, #tpu.memory_space<vmem>> -> memref<1x80x128xf32, #tpu.memory_space<vmem>>
        %dma_start3A_72 = tpu.memref_squeeze %dma_start3A_71 : memref<1x80x128xf32, #tpu.memory_space<vmem>> -> memref<80x128xf32, #tpu.memory_space<vmem>>
        tpu.enqueue_dma source(%dma_start3A_72 : memref<80x128xf32, #tpu.memory_space<vmem>>) target(%dma_start3A_68 : memref<80x128xf32, #tpu.memory_space<vmem_shared>>) target_semaphore(%run_scoped3A_61 : memref<!tpu.dma_semaphore, #tpu.memory_space<semaphore_mem>>)
        %dma_wait3A = arith.constant 0 : i32
        %dma_wait3A_73 = arith.constant 0 : i32
        %dma_wait3A_74 = tpu.memref_slice %arg7[%run_scoped3A_45, %dma_wait3A, %dma_wait3A_73] : memref<4x80x128xf32, #tpu.memory_space<vmem>> -> memref<1x80x128xf32, #tpu.memory_space<vmem>>
        %dma_wait3A_75 = tpu.memref_squeeze %dma_wait3A_74 : memref<1x80x128xf32, #tpu.memory_space<vmem>> -> memref<80x128xf32, #tpu.memory_space<vmem>>
        %dma_wait3A_76 = arith.constant 0 : i32
        %dma_wait3A_77 = tpu.memref_slice %arg8[%add3A_44, %dma_wait3A_76] : memref<10240x128xf32, #tpu.memory_space<vmem_shared>> -> memref<80x128xf32, #tpu.memory_space<vmem_shared>>
        %dma_wait3A_78 = arith.constant 0 : i32
        %dma_wait3A_79 = tpu.memref_slice %arg8[%add3A_44, %dma_wait3A_78] : memref<10240x128xf32, #tpu.memory_space<vmem_shared>> -> memref<80x128xf32, #tpu.memory_space<vmem_shared>>
        %dma_wait3A_80 = arith.constant 0 : i32
        %dma_wait3A_81 = arith.constant 0 : i32
        %dma_wait3A_82 = tpu.memref_slice %arg7[%run_scoped3A_45, %dma_wait3A_80, %dma_wait3A_81] : memref<4x80x128xf32, #tpu.memory_space<vmem>> -> memref<1x80x128xf32, #tpu.memory_space<vmem>>
        %dma_wait3A_83 = tpu.memref_squeeze %dma_wait3A_82 : memref<1x80x128xf32, #tpu.memory_space<vmem>> -> memref<80x128xf32, #tpu.memory_space<vmem>>
        tpu.wait_dma2 semaphore(%run_scoped3A_61 : memref<!tpu.dma_semaphore, #tpu.memory_space<semaphore_mem>>) src(%dma_wait3A_83 : memref<80x128xf32, #tpu.memory_space<vmem>>) dst(%dma_wait3A_79 : memref<80x128xf32, #tpu.memory_space<vmem_shared>>)
        tpu.yield
      }) : () -> ()
      %add3A_46 = arith.constant 240 : i32
      %add3A_47 = arith.addi %mul3A_2, %add3A_46 : i32
      %run_scoped3A_48 = arith.constant 0 : i32
      "tpu.region"() ({
        %run_scoped3A_61 = tpu.sem_alloc : memref<!tpu.dma_semaphore, #tpu.memory_space<semaphore_mem>>
        %dma_start3A = arith.constant 0 : i32
        %dma_start3A_62 = arith.constant 0 : i32
        %dma_start3A_63 = tpu.memref_slice %arg7[%run_scoped3A_48, %dma_start3A, %dma_start3A_62] : memref<4x80x128xf32, #tpu.memory_space<vmem>> -> memref<1x80x128xf32, #tpu.memory_space<vmem>>
        %dma_start3A_64 = tpu.memref_squeeze %dma_start3A_63 : memref<1x80x128xf32, #tpu.memory_space<vmem>> -> memref<80x128xf32, #tpu.memory_space<vmem>>
        %dma_start3A_65 = arith.constant 0 : i32
        %dma_start3A_66 = tpu.memref_slice %arg8[%add3A_47, %dma_start3A_65] : memref<10240x128xf32, #tpu.memory_space<vmem_shared>> -> memref<80x128xf32, #tpu.memory_space<vmem_shared>>
        %dma_start3A_67 = arith.constant 0 : i32
        %dma_start3A_68 = tpu.memref_slice %arg8[%add3A_47, %dma_start3A_67] : memref<10240x128xf32, #tpu.memory_space<vmem_shared>> -> memref<80x128xf32, #tpu.memory_space<vmem_shared>>
        %dma_start3A_69 = arith.constant 0 : i32
        %dma_start3A_70 = arith.constant 0 : i32
        %dma_start3A_71 = tpu.memref_slice %arg7[%run_scoped3A_48, %dma_start3A_69, %dma_start3A_70] : memref<4x80x128xf32, #tpu.memory_space<vmem>> -> memref<1x80x128xf32, #tpu.memory_space<vmem>>
        %dma_start3A_72 = tpu.memref_squeeze %dma_start3A_71 : memref<1x80x128xf32, #tpu.memory_space<vmem>> -> memref<80x128xf32, #tpu.memory_space<vmem>>
        tpu.enqueue_dma source(%dma_start3A_72 : memref<80x128xf32, #tpu.memory_space<vmem>>) target(%dma_start3A_68 : memref<80x128xf32, #tpu.memory_space<vmem_shared>>) target_semaphore(%run_scoped3A_61 : memref<!tpu.dma_semaphore, #tpu.memory_space<semaphore_mem>>)
        %dma_wait3A = arith.constant 0 : i32
        %dma_wait3A_73 = arith.constant 0 : i32
        %dma_wait3A_74 = tpu.memref_slice %arg7[%run_scoped3A_48, %dma_wait3A, %dma_wait3A_73] : memref<4x80x128xf32, #tpu.memory_space<vmem>> -> memref<1x80x128xf32, #tpu.memory_space<vmem>>
        %dma_wait3A_75 = tpu.memref_squeeze %dma_wait3A_74 : memref<1x80x128xf32, #tpu.memory_space<vmem>> -> memref<80x128xf32, #tpu.memory_space<vmem>>
        %dma_wait3A_76 = arith.constant 0 : i32
        %dma_wait3A_77 = tpu.memref_slice %arg8[%add3A_47, %dma_wait3A_76] : memref<10240x128xf32, #tpu.memory_space<vmem_shared>> -> memref<80x128xf32, #tpu.memory_space<vmem_shared>>
        %dma_wait3A_78 = arith.constant 0 : i32
        %dma_wait3A_79 = tpu.memref_slice %arg8[%add3A_47, %dma_wait3A_78] : memref<10240x128xf32, #tpu.memory_space<vmem_shared>> -> memref<80x128xf32, #tpu.memory_space<vmem_shared>>
        %dma_wait3A_80 = arith.constant 0 : i32
        %dma_wait3A_81 = arith.constant 0 : i32
        %dma_wait3A_82 = tpu.memref_slice %arg7[%run_scoped3A_48, %dma_wait3A_80, %dma_wait3A_81] : memref<4x80x128xf32, #tpu.memory_space<vmem>> -> memref<1x80x128xf32, #tpu.memory_space<vmem>>
        %dma_wait3A_83 = tpu.memref_squeeze %dma_wait3A_82 : memref<1x80x128xf32, #tpu.memory_space<vmem>> -> memref<80x128xf32, #tpu.memory_space<vmem>>
        tpu.wait_dma2 semaphore(%run_scoped3A_61 : memref<!tpu.dma_semaphore, #tpu.memory_space<semaphore_mem>>) src(%dma_wait3A_83 : memref<80x128xf32, #tpu.memory_space<vmem>>) dst(%dma_wait3A_79 : memref<80x128xf32, #tpu.memory_space<vmem_shared>>)
        tpu.yield
      }) : () -> ()
      %add3A_49 = arith.constant 320 : i32
      %add3A_50 = arith.addi %mul3A_2, %add3A_49 : i32
      %run_scoped3A_51 = arith.constant 0 : i32
      "tpu.region"() ({
        %run_scoped3A_61 = tpu.sem_alloc : memref<!tpu.dma_semaphore, #tpu.memory_space<semaphore_mem>>
        %dma_start3A = arith.constant 0 : i32
        %dma_start3A_62 = arith.constant 0 : i32
        %dma_start3A_63 = tpu.memref_slice %arg7[%run_scoped3A_51, %dma_start3A, %dma_start3A_62] : memref<4x80x128xf32, #tpu.memory_space<vmem>> -> memref<1x80x128xf32, #tpu.memory_space<vmem>>
        %dma_start3A_64 = tpu.memref_squeeze %dma_start3A_63 : memref<1x80x128xf32, #tpu.memory_space<vmem>> -> memref<80x128xf32, #tpu.memory_space<vmem>>
        %dma_start3A_65 = arith.constant 0 : i32
        %dma_start3A_66 = tpu.memref_slice %arg8[%add3A_50, %dma_start3A_65] : memref<10240x128xf32, #tpu.memory_space<vmem_shared>> -> memref<80x128xf32, #tpu.memory_space<vmem_shared>>
        %dma_start3A_67 = arith.constant 0 : i32
        %dma_start3A_68 = tpu.memref_slice %arg8[%add3A_50, %dma_start3A_67] : memref<10240x128xf32, #tpu.memory_space<vmem_shared>> -> memref<80x128xf32, #tpu.memory_space<vmem_shared>>
        %dma_start3A_69 = arith.constant 0 : i32
        %dma_start3A_70 = arith.constant 0 : i32
        %dma_start3A_71 = tpu.memref_slice %arg7[%run_scoped3A_51, %dma_start3A_69, %dma_start3A_70] : memref<4x80x128xf32, #tpu.memory_space<vmem>> -> memref<1x80x128xf32, #tpu.memory_space<vmem>>
        %dma_start3A_72 = tpu.memref_squeeze %dma_start3A_71 : memref<1x80x128xf32, #tpu.memory_space<vmem>> -> memref<80x128xf32, #tpu.memory_space<vmem>>
        tpu.enqueue_dma source(%dma_start3A_72 : memref<80x128xf32, #tpu.memory_space<vmem>>) target(%dma_start3A_68 : memref<80x128xf32, #tpu.memory_space<vmem_shared>>) target_semaphore(%run_scoped3A_61 : memref<!tpu.dma_semaphore, #tpu.memory_space<semaphore_mem>>)
        %dma_wait3A = arith.constant 0 : i32
        %dma_wait3A_73 = arith.constant 0 : i32
        %dma_wait3A_74 = tpu.memref_slice %arg7[%run_scoped3A_51, %dma_wait3A, %dma_wait3A_73] : memref<4x80x128xf32, #tpu.memory_space<vmem>> -> memref<1x80x128xf32, #tpu.memory_space<vmem>>
        %dma_wait3A_75 = tpu.memref_squeeze %dma_wait3A_74 : memref<1x80x128xf32, #tpu.memory_space<vmem>> -> memref<80x128xf32, #tpu.memory_space<vmem>>
        %dma_wait3A_76 = arith.constant 0 : i32
        %dma_wait3A_77 = tpu.memref_slice %arg8[%add3A_50, %dma_wait3A_76] : memref<10240x128xf32, #tpu.memory_space<vmem_shared>> -> memref<80x128xf32, #tpu.memory_space<vmem_shared>>
        %dma_wait3A_78 = arith.constant 0 : i32
        %dma_wait3A_79 = tpu.memref_slice %arg8[%add3A_50, %dma_wait3A_78] : memref<10240x128xf32, #tpu.memory_space<vmem_shared>> -> memref<80x128xf32, #tpu.memory_space<vmem_shared>>
        %dma_wait3A_80 = arith.constant 0 : i32
        %dma_wait3A_81 = arith.constant 0 : i32
        %dma_wait3A_82 = tpu.memref_slice %arg7[%run_scoped3A_51, %dma_wait3A_80, %dma_wait3A_81] : memref<4x80x128xf32, #tpu.memory_space<vmem>> -> memref<1x80x128xf32, #tpu.memory_space<vmem>>
        %dma_wait3A_83 = tpu.memref_squeeze %dma_wait3A_82 : memref<1x80x128xf32, #tpu.memory_space<vmem>> -> memref<80x128xf32, #tpu.memory_space<vmem>>
        tpu.wait_dma2 semaphore(%run_scoped3A_61 : memref<!tpu.dma_semaphore, #tpu.memory_space<semaphore_mem>>) src(%dma_wait3A_83 : memref<80x128xf32, #tpu.memory_space<vmem>>) dst(%dma_wait3A_79 : memref<80x128xf32, #tpu.memory_space<vmem_shared>>)
        tpu.yield
      }) : () -> ()
      %add3A_52 = arith.constant 400 : i32
      %add3A_53 = arith.addi %mul3A_2, %add3A_52 : i32
      %run_scoped3A_54 = arith.constant 0 : i32
      "tpu.region"() ({
        %run_scoped3A_61 = tpu.sem_alloc : memref<!tpu.dma_semaphore, #tpu.memory_space<semaphore_mem>>
        %dma_start3A = arith.constant 0 : i32
        %dma_start3A_62 = arith.constant 0 : i32
        %dma_start3A_63 = tpu.memref_slice %arg7[%run_scoped3A_54, %dma_start3A, %dma_start3A_62] : memref<4x80x128xf32, #tpu.memory_space<vmem>> -> memref<1x80x128xf32, #tpu.memory_space<vmem>>
        %dma_start3A_64 = tpu.memref_squeeze %dma_start3A_63 : memref<1x80x128xf32, #tpu.memory_space<vmem>> -> memref<80x128xf32, #tpu.memory_space<vmem>>
        %dma_start3A_65 = arith.constant 0 : i32
        %dma_start3A_66 = tpu.memref_slice %arg8[%add3A_53, %dma_start3A_65] : memref<10240x128xf32, #tpu.memory_space<vmem_shared>> -> memref<80x128xf32, #tpu.memory_space<vmem_shared>>
        %dma_start3A_67 = arith.constant 0 : i32
        %dma_start3A_68 = tpu.memref_slice %arg8[%add3A_53, %dma_start3A_67] : memref<10240x128xf32, #tpu.memory_space<vmem_shared>> -> memref<80x128xf32, #tpu.memory_space<vmem_shared>>
        %dma_start3A_69 = arith.constant 0 : i32
        %dma_start3A_70 = arith.constant 0 : i32
        %dma_start3A_71 = tpu.memref_slice %arg7[%run_scoped3A_54, %dma_start3A_69, %dma_start3A_70] : memref<4x80x128xf32, #tpu.memory_space<vmem>> -> memref<1x80x128xf32, #tpu.memory_space<vmem>>
        %dma_start3A_72 = tpu.memref_squeeze %dma_start3A_71 : memref<1x80x128xf32, #tpu.memory_space<vmem>> -> memref<80x128xf32, #tpu.memory_space<vmem>>
        tpu.enqueue_dma source(%dma_start3A_72 : memref<80x128xf32, #tpu.memory_space<vmem>>) target(%dma_start3A_68 : memref<80x128xf32, #tpu.memory_space<vmem_shared>>) target_semaphore(%run_scoped3A_61 : memref<!tpu.dma_semaphore, #tpu.memory_space<semaphore_mem>>)
        %dma_wait3A = arith.constant 0 : i32
        %dma_wait3A_73 = arith.constant 0 : i32
        %dma_wait3A_74 = tpu.memref_slice %arg7[%run_scoped3A_54, %dma_wait3A, %dma_wait3A_73] : memref<4x80x128xf32, #tpu.memory_space<vmem>> -> memref<1x80x128xf32, #tpu.memory_space<vmem>>
        %dma_wait3A_75 = tpu.memref_squeeze %dma_wait3A_74 : memref<1x80x128xf32, #tpu.memory_space<vmem>> -> memref<80x128xf32, #tpu.memory_space<vmem>>
        %dma_wait3A_76 = arith.constant 0 : i32
        %dma_wait3A_77 = tpu.memref_slice %arg8[%add3A_53, %dma_wait3A_76] : memref<10240x128xf32, #tpu.memory_space<vmem_shared>> -> memref<80x128xf32, #tpu.memory_space<vmem_shared>>
        %dma_wait3A_78 = arith.constant 0 : i32
        %dma_wait3A_79 = tpu.memref_slice %arg8[%add3A_53, %dma_wait3A_78] : memref<10240x128xf32, #tpu.memory_space<vmem_shared>> -> memref<80x128xf32, #tpu.memory_space<vmem_shared>>
        %dma_wait3A_80 = arith.constant 0 : i32
        %dma_wait3A_81 = arith.constant 0 : i32
        %dma_wait3A_82 = tpu.memref_slice %arg7[%run_scoped3A_54, %dma_wait3A_80, %dma_wait3A_81] : memref<4x80x128xf32, #tpu.memory_space<vmem>> -> memref<1x80x128xf32, #tpu.memory_space<vmem>>
        %dma_wait3A_83 = tpu.memref_squeeze %dma_wait3A_82 : memref<1x80x128xf32, #tpu.memory_space<vmem>> -> memref<80x128xf32, #tpu.memory_space<vmem>>
        tpu.wait_dma2 semaphore(%run_scoped3A_61 : memref<!tpu.dma_semaphore, #tpu.memory_space<semaphore_mem>>) src(%dma_wait3A_83 : memref<80x128xf32, #tpu.memory_space<vmem>>) dst(%dma_wait3A_79 : memref<80x128xf32, #tpu.memory_space<vmem_shared>>)
        tpu.yield
      }) : () -> ()
      %add3A_55 = arith.constant 480 : i32
      %add3A_56 = arith.addi %mul3A_2, %add3A_55 : i32
      %run_scoped3A_57 = arith.constant 0 : i32
      "tpu.region"() ({
        %run_scoped3A_61 = tpu.sem_alloc : memref<!tpu.dma_semaphore, #tpu.memory_space<semaphore_mem>>
        %dma_start3A = arith.constant 0 : i32
        %dma_start3A_62 = arith.constant 0 : i32
        %dma_start3A_63 = tpu.memref_slice %arg7[%run_scoped3A_57, %dma_start3A, %dma_start3A_62] : memref<4x80x128xf32, #tpu.memory_space<vmem>> -> memref<1x80x128xf32, #tpu.memory_space<vmem>>
        %dma_start3A_64 = tpu.memref_squeeze %dma_start3A_63 : memref<1x80x128xf32, #tpu.memory_space<vmem>> -> memref<80x128xf32, #tpu.memory_space<vmem>>
        %dma_start3A_65 = arith.constant 0 : i32
        %dma_start3A_66 = tpu.memref_slice %arg8[%add3A_56, %dma_start3A_65] : memref<10240x128xf32, #tpu.memory_space<vmem_shared>> -> memref<80x128xf32, #tpu.memory_space<vmem_shared>>
        %dma_start3A_67 = arith.constant 0 : i32
        %dma_start3A_68 = tpu.memref_slice %arg8[%add3A_56, %dma_start3A_67] : memref<10240x128xf32, #tpu.memory_space<vmem_shared>> -> memref<80x128xf32, #tpu.memory_space<vmem_shared>>
        %dma_start3A_69 = arith.constant 0 : i32
        %dma_start3A_70 = arith.constant 0 : i32
        %dma_start3A_71 = tpu.memref_slice %arg7[%run_scoped3A_57, %dma_start3A_69, %dma_start3A_70] : memref<4x80x128xf32, #tpu.memory_space<vmem>> -> memref<1x80x128xf32, #tpu.memory_space<vmem>>
        %dma_start3A_72 = tpu.memref_squeeze %dma_start3A_71 : memref<1x80x128xf32, #tpu.memory_space<vmem>> -> memref<80x128xf32, #tpu.memory_space<vmem>>
        tpu.enqueue_dma source(%dma_start3A_72 : memref<80x128xf32, #tpu.memory_space<vmem>>) target(%dma_start3A_68 : memref<80x128xf32, #tpu.memory_space<vmem_shared>>) target_semaphore(%run_scoped3A_61 : memref<!tpu.dma_semaphore, #tpu.memory_space<semaphore_mem>>)
        %dma_wait3A = arith.constant 0 : i32
        %dma_wait3A_73 = arith.constant 0 : i32
        %dma_wait3A_74 = tpu.memref_slice %arg7[%run_scoped3A_57, %dma_wait3A, %dma_wait3A_73] : memref<4x80x128xf32, #tpu.memory_space<vmem>> -> memref<1x80x128xf32, #tpu.memory_space<vmem>>
        %dma_wait3A_75 = tpu.memref_squeeze %dma_wait3A_74 : memref<1x80x128xf32, #tpu.memory_space<vmem>> -> memref<80x128xf32, #tpu.memory_space<vmem>>
        %dma_wait3A_76 = arith.constant 0 : i32
        %dma_wait3A_77 = tpu.memref_slice %arg8[%add3A_56, %dma_wait3A_76] : memref<10240x128xf32, #tpu.memory_space<vmem_shared>> -> memref<80x128xf32, #tpu.memory_space<vmem_shared>>
        %dma_wait3A_78 = arith.constant 0 : i32
        %dma_wait3A_79 = tpu.memref_slice %arg8[%add3A_56, %dma_wait3A_78] : memref<10240x128xf32, #tpu.memory_space<vmem_shared>> -> memref<80x128xf32, #tpu.memory_space<vmem_shared>>
        %dma_wait3A_80 = arith.constant 0 : i32
        %dma_wait3A_81 = arith.constant 0 : i32
        %dma_wait3A_82 = tpu.memref_slice %arg7[%run_scoped3A_57, %dma_wait3A_80, %dma_wait3A_81] : memref<4x80x128xf32, #tpu.memory_space<vmem>> -> memref<1x80x128xf32, #tpu.memory_space<vmem>>
        %dma_wait3A_83 = tpu.memref_squeeze %dma_wait3A_82 : memref<1x80x128xf32, #tpu.memory_space<vmem>> -> memref<80x128xf32, #tpu.memory_space<vmem>>
        tpu.wait_dma2 semaphore(%run_scoped3A_61 : memref<!tpu.dma_semaphore, #tpu.memory_space<semaphore_mem>>) src(%dma_wait3A_83 : memref<80x128xf32, #tpu.memory_space<vmem>>) dst(%dma_wait3A_79 : memref<80x128xf32, #tpu.memory_space<vmem_shared>>)
        tpu.yield
      }) : () -> ()
      %add3A_58 = arith.constant 560 : i32
      %add3A_59 = arith.addi %mul3A_2, %add3A_58 : i32
      %run_scoped3A_60 = arith.constant 0 : i32
      "tpu.region"() ({
        %run_scoped3A_61 = tpu.sem_alloc : memref<!tpu.dma_semaphore, #tpu.memory_space<semaphore_mem>>
        %dma_start3A = arith.constant 0 : i32
        %dma_start3A_62 = arith.constant 0 : i32
        %dma_start3A_63 = tpu.memref_slice %arg7[%run_scoped3A_60, %dma_start3A, %dma_start3A_62] : memref<4x80x128xf32, #tpu.memory_space<vmem>> -> memref<1x80x128xf32, #tpu.memory_space<vmem>>
        %dma_start3A_64 = tpu.memref_squeeze %dma_start3A_63 : memref<1x80x128xf32, #tpu.memory_space<vmem>> -> memref<80x128xf32, #tpu.memory_space<vmem>>
        %dma_start3A_65 = arith.constant 0 : i32
        %dma_start3A_66 = tpu.memref_slice %arg8[%add3A_59, %dma_start3A_65] : memref<10240x128xf32, #tpu.memory_space<vmem_shared>> -> memref<80x128xf32, #tpu.memory_space<vmem_shared>>
        %dma_start3A_67 = arith.constant 0 : i32
        %dma_start3A_68 = tpu.memref_slice %arg8[%add3A_59, %dma_start3A_67] : memref<10240x128xf32, #tpu.memory_space<vmem_shared>> -> memref<80x128xf32, #tpu.memory_space<vmem_shared>>
        %dma_start3A_69 = arith.constant 0 : i32
        %dma_start3A_70 = arith.constant 0 : i32
        %dma_start3A_71 = tpu.memref_slice %arg7[%run_scoped3A_60, %dma_start3A_69, %dma_start3A_70] : memref<4x80x128xf32, #tpu.memory_space<vmem>> -> memref<1x80x128xf32, #tpu.memory_space<vmem>>
        %dma_start3A_72 = tpu.memref_squeeze %dma_start3A_71 : memref<1x80x128xf32, #tpu.memory_space<vmem>> -> memref<80x128xf32, #tpu.memory_space<vmem>>
        tpu.enqueue_dma source(%dma_start3A_72 : memref<80x128xf32, #tpu.memory_space<vmem>>) target(%dma_start3A_68 : memref<80x128xf32, #tpu.memory_space<vmem_shared>>) target_semaphore(%run_scoped3A_61 : memref<!tpu.dma_semaphore, #tpu.memory_space<semaphore_mem>>)
        %dma_wait3A = arith.constant 0 : i32
        %dma_wait3A_73 = arith.constant 0 : i32
        %dma_wait3A_74 = tpu.memref_slice %arg7[%run_scoped3A_60, %dma_wait3A, %dma_wait3A_73] : memref<4x80x128xf32, #tpu.memory_space<vmem>> -> memref<1x80x128xf32, #tpu.memory_space<vmem>>
        %dma_wait3A_75 = tpu.memref_squeeze %dma_wait3A_74 : memref<1x80x128xf32, #tpu.memory_space<vmem>> -> memref<80x128xf32, #tpu.memory_space<vmem>>
        %dma_wait3A_76 = arith.constant 0 : i32
        %dma_wait3A_77 = tpu.memref_slice %arg8[%add3A_59, %dma_wait3A_76] : memref<10240x128xf32, #tpu.memory_space<vmem_shared>> -> memref<80x128xf32, #tpu.memory_space<vmem_shared>>
        %dma_wait3A_78 = arith.constant 0 : i32
        %dma_wait3A_79 = tpu.memref_slice %arg8[%add3A_59, %dma_wait3A_78] : memref<10240x128xf32, #tpu.memory_space<vmem_shared>> -> memref<80x128xf32, #tpu.memory_space<vmem_shared>>
        %dma_wait3A_80 = arith.constant 0 : i32
        %dma_wait3A_81 = arith.constant 0 : i32
        %dma_wait3A_82 = tpu.memref_slice %arg7[%run_scoped3A_60, %dma_wait3A_80, %dma_wait3A_81] : memref<4x80x128xf32, #tpu.memory_space<vmem>> -> memref<1x80x128xf32, #tpu.memory_space<vmem>>
        %dma_wait3A_83 = tpu.memref_squeeze %dma_wait3A_82 : memref<1x80x128xf32, #tpu.memory_space<vmem>> -> memref<80x128xf32, #tpu.memory_space<vmem>>
        tpu.wait_dma2 semaphore(%run_scoped3A_61 : memref<!tpu.dma_semaphore, #tpu.memory_space<semaphore_mem>>) src(%dma_wait3A_83 : memref<80x128xf32, #tpu.memory_space<vmem>>) dst(%dma_wait3A_79 : memref<80x128xf32, #tpu.memory_space<vmem_shared>>)
        tpu.yield
      }) : () -> ()
    } else {
    }
    %barrier3A = arith.constant 0 : index
    tpu.barrier barrier_id(%barrier3A)
    %scan3A = arith.constant 0 : i32
    %scan3A_25 = arith.constant 0 : i32
    %scan3A_26 = arith.constant 131 : i32
    %scan3A_27 = arith.addi %scan3A_25, %scan3A_26 : i32
    %scan3A_28 = arith.constant 1 : i32
    scf.for %scan3A_31 = %scan3A_25 to %scan3A_27 step %scan3A_28  : i32 {
      %sub3A = arith.constant 4 : i32
      %sub3A_32 = arith.subi %scan3A_31, %sub3A : i32
      %ge3A = arith.constant 0 : i32
      %ge3A_33 = arith.cmpi sge, %sub3A_32, %ge3A : i32
      %mul3A_34 = arith.constant 32 : i32
      %mul3A_35 = arith.muli %sub3A_32, %mul3A_34 : i32
      %add3A_36 = arith.addi %add3A, %mul3A_35 : i32
      %lt3A_37 = arith.constant 4000 : i32
      %lt3A_38 = arith.cmpi slt, %add3A_36, %lt3A_37 : i32
      %and3A_39 = arith.andi %ge3A_33, %lt3A_38 : i1
      %convert_element_type3A_40 = arith.extui %and3A_39 : i1 to i32
      %cond3A_41 = arith.constant 0 : i32
      %cond3A_42 = arith.cmpi ne, %convert_element_type3A_40, %cond3A_41 : i32
      scf.if %cond3A_42 {
        %rem3A = arith.constant 4 : i32
        %rem3A_104 = arith.remsi %sub3A_32, %rem3A : i32
        %rem3A_105 = arith.constant 8 : i32
        %rem3A_106 = arith.remsi %sub3A_32, %rem3A_105 : i32
        %dma_wait3A = arith.constant 0 : i32
        %dma_wait3A_107 = arith.constant 0 : i32
        %dma_wait3A_108 = tpu.memref_slice %arg7[%rem3A_104, %dma_wait3A, %dma_wait3A_107] : memref<4x80x128xf32, #tpu.memory_space<vmem>> -> memref<1x80x128xf32, #tpu.memory_space<vmem>>
        %dma_wait3A_109 = tpu.memref_squeeze %dma_wait3A_108 : memref<1x80x128xf32, #tpu.memory_space<vmem>> -> memref<80x128xf32, #tpu.memory_space<vmem>>
        %dma_wait3A_110 = arith.constant 0 : i32
        %dma_wait3A_111 = tpu.memref_slice %arg6[%rem3A_106, %dma_wait3A_110] : memref<8x80xi32, #tpu.memory_space<vmem>> -> memref<1x80xi32, #tpu.memory_space<vmem>>
        %dma_wait3A_112 = tpu.memref_squeeze %dma_wait3A_111 : memref<1x80xi32, #tpu.memory_space<vmem>> -> memref<80xi32, #tpu.memory_space<vmem>>
        %dma_wait3A_113 = arith.constant 0 : i32
        %dma_wait3A_114 = arith.constant 0 : i32
        %dma_wait3A_115 = tpu.memref_slice %arg8[%dma_wait3A_113, %dma_wait3A_114] : memref<10240x128xf32, #tpu.memory_space<vmem_shared>> -> memref<10240x128xf32, #tpu.memory_space<vmem_shared>>
        tpu.wait_indirect_dma semaphore(%arg11 : memref<!tpu.dma_semaphore, #tpu.memory_space<semaphore_mem>>) src(%dma_wait3A_109 : memref<80x128xf32, #tpu.memory_space<vmem>>) dst(%dma_wait3A_115 : memref<10240x128xf32, #tpu.memory_space<vmem_shared>>)
      } else {
      }
      %ge3A_43 = arith.constant 0 : i32
      %ge3A_44 = arith.cmpi sge, %scan3A_31, %ge3A_43 : i32
      %mul3A_45 = arith.constant 32 : i32
      %mul3A_46 = arith.muli %scan3A_31, %mul3A_45 : i32
      %add3A_47 = arith.addi %add3A, %mul3A_46 : i32
      %lt3A_48 = arith.constant 4000 : i32
      %lt3A_49 = arith.cmpi slt, %add3A_47, %lt3A_48 : i32
      %and3A_50 = arith.andi %ge3A_44, %lt3A_49 : i1
      %convert_element_type3A_51 = arith.extui %and3A_50 : i1 to i32
      %cond3A_52 = arith.constant 0 : i32
      %cond3A_53 = arith.cmpi ne, %convert_element_type3A_51, %cond3A_52 : i32
      scf.if %cond3A_53 {
        %mul3A_104 = arith.constant 32 : i32
        %mul3A_105 = arith.muli %scan3A_31, %mul3A_104 : i32
        %add3A_106 = arith.addi %add3A, %mul3A_105 : i32
        %mul3A_107 = arith.constant 80 : i32
        %mul3A_108 = arith.muli %add3A_106, %mul3A_107 : i32
        %rem3A = arith.constant 8 : i32
        %rem3A_109 = arith.remsi %scan3A_31, %rem3A : i32
        %dma_wait3A = arith.constant 0 : i32
        %dma_wait3A_110 = tpu.memref_slice %arg5[%rem3A_109, %dma_wait3A] : memref<8x80xi32, #tpu.memory_space<vmem>> -> memref<1x80xi32, #tpu.memory_space<vmem>>
        %dma_wait3A_111 = tpu.memref_squeeze %dma_wait3A_110 : memref<1x80xi32, #tpu.memory_space<vmem>> -> memref<80xi32, #tpu.memory_space<vmem>>
        %dma_wait3A_112 = tpu.memref_slice %arg2[%mul3A_108] : memref<640000xi32, #tpu.memory_space<hbm>> -> memref<80xi32, #tpu.memory_space<hbm>>
        %dma_wait3A_113 = arith.constant 0 : i32
        %dma_wait3A_114 = tpu.memref_slice %arg5[%rem3A_109, %dma_wait3A_113] : memref<8x80xi32, #tpu.memory_space<vmem>> -> memref<1x80xi32, #tpu.memory_space<vmem>>
        %dma_wait3A_115 = tpu.memref_squeeze %dma_wait3A_114 : memref<1x80xi32, #tpu.memory_space<vmem>> -> memref<80xi32, #tpu.memory_space<vmem>>
        %dma_wait3A_116 = tpu.memref_slice %arg2[%mul3A_108] : memref<640000xi32, #tpu.memory_space<hbm>> -> memref<80xi32, #tpu.memory_space<hbm>>
        tpu.wait_dma2 semaphore(%arg9 : memref<!tpu.dma_semaphore, #tpu.memory_space<semaphore_mem>>) src(%dma_wait3A_116 : memref<80xi32, #tpu.memory_space<hbm>>) dst(%dma_wait3A_115 : memref<80xi32, #tpu.memory_space<vmem>>)
        %add3A_117 = arith.constant 320000 : i32
        %add3A_118 = arith.addi %add3A_117, %mul3A_108 : i32
        %dma_wait3A_119 = arith.constant 0 : i32
        %dma_wait3A_120 = tpu.memref_slice %arg6[%rem3A_109, %dma_wait3A_119] : memref<8x80xi32, #tpu.memory_space<vmem>> -> memref<1x80xi32, #tpu.memory_space<vmem>>
        %dma_wait3A_121 = tpu.memref_squeeze %dma_wait3A_120 : memref<1x80xi32, #tpu.memory_space<vmem>> -> memref<80xi32, #tpu.memory_space<vmem>>
        %dma_wait3A_122 = tpu.memref_slice %arg2[%add3A_118] : memref<640000xi32, #tpu.memory_space<hbm>> -> memref<80xi32, #tpu.memory_space<hbm>>
        %dma_wait3A_123 = arith.constant 0 : i32
        %dma_wait3A_124 = tpu.memref_slice %arg6[%rem3A_109, %dma_wait3A_123] : memref<8x80xi32, #tpu.memory_space<vmem>> -> memref<1x80xi32, #tpu.memory_space<vmem>>
        %dma_wait3A_125 = tpu.memref_squeeze %dma_wait3A_124 : memref<1x80xi32, #tpu.memory_space<vmem>> -> memref<80xi32, #tpu.memory_space<vmem>>
        %dma_wait3A_126 = tpu.memref_slice %arg2[%add3A_118] : memref<640000xi32, #tpu.memory_space<hbm>> -> memref<80xi32, #tpu.memory_space<hbm>>
        tpu.wait_dma2 semaphore(%arg9 : memref<!tpu.dma_semaphore, #tpu.memory_space<semaphore_mem>>) src(%dma_wait3A_126 : memref<80xi32, #tpu.memory_space<hbm>>) dst(%dma_wait3A_125 : memref<80xi32, #tpu.memory_space<vmem>>)
      } else {
      }
      %ge3A_54 = arith.constant 0 : i32
      %ge3A_55 = arith.cmpi sge, %scan3A_31, %ge3A_54 : i32
      %mul3A_56 = arith.constant 32 : i32
      %mul3A_57 = arith.muli %scan3A_31, %mul3A_56 : i32
      %add3A_58 = arith.addi %add3A, %mul3A_57 : i32
      %lt3A_59 = arith.constant 4000 : i32
      %lt3A_60 = arith.cmpi slt, %add3A_58, %lt3A_59 : i32
      %and3A_61 = arith.andi %ge3A_55, %lt3A_60 : i1
      %convert_element_type3A_62 = arith.extui %and3A_61 : i1 to i32
      %cond3A_63 = arith.constant 0 : i32
      %cond3A_64 = arith.cmpi ne, %convert_element_type3A_62, %cond3A_63 : i32
      scf.if %cond3A_64 {
        %rem3A = arith.constant 8 : i32
        %rem3A_104 = arith.remsi %scan3A_31, %rem3A : i32
        %rem3A_105 = arith.constant 4 : i32
        %rem3A_106 = arith.remsi %scan3A_31, %rem3A_105 : i32
        %dma_start3A = arith.constant 0 : i32
        %dma_start3A_107 = arith.constant 0 : i32
        %dma_start3A_108 = tpu.memref_slice %arg7[%rem3A_106, %dma_start3A, %dma_start3A_107] : memref<4x80x128xf32, #tpu.memory_space<vmem>> -> memref<1x80x128xf32, #tpu.memory_space<vmem>>
        %dma_start3A_109 = tpu.memref_squeeze %dma_start3A_108 : memref<1x80x128xf32, #tpu.memory_space<vmem>> -> memref<80x128xf32, #tpu.memory_space<vmem>>
        %dma_start3A_110 = arith.constant 0 : i32
        %dma_start3A_111 = tpu.memref_slice %arg5[%rem3A_104, %dma_start3A_110] : memref<8x80xi32, #tpu.memory_space<vmem>> -> memref<1x80xi32, #tpu.memory_space<vmem>>
        %dma_start3A_112 = tpu.memref_squeeze %dma_start3A_111 : memref<1x80xi32, #tpu.memory_space<vmem>> -> memref<80xi32, #tpu.memory_space<vmem>>
        %dma_start3A_113 = arith.constant 0 : i32
        %dma_start3A_114 = arith.constant 0 : i32
        %dma_start3A_115 = tpu.memref_slice %arg3[%dma_start3A_113, %dma_start3A_114] : memref<10240x128xf32, #tpu.memory_space<hbm>> -> memref<10240x128xf32, #tpu.memory_space<hbm>>
        tpu.enqueue_indirect_dma source(%dma_start3A_115 : memref<10240x128xf32, #tpu.memory_space<hbm>>) target(%dma_start3A_109 : memref<80x128xf32, #tpu.memory_space<vmem>>) offsets(%dma_start3A_112 : memref<80xi32, #tpu.memory_space<vmem>>) semaphore(%arg10 : memref<!tpu.dma_semaphore, #tpu.memory_space<semaphore_mem>>)
      } else {
      }
      %sub3A_65 = arith.constant 2 : i32
      %sub3A_66 = arith.subi %scan3A_31, %sub3A_65 : i32
      %ge3A_67 = arith.constant 0 : i32
      %ge3A_68 = arith.cmpi sge, %sub3A_66, %ge3A_67 : i32
      %mul3A_69 = arith.constant 32 : i32
      %mul3A_70 = arith.muli %sub3A_66, %mul3A_69 : i32
      %add3A_71 = arith.addi %add3A, %mul3A_70 : i32
      %lt3A_72 = arith.constant 4000 : i32
      %lt3A_73 = arith.cmpi slt, %add3A_71, %lt3A_72 : i32
      %and3A_74 = arith.andi %ge3A_68, %lt3A_73 : i1
      %convert_element_type3A_75 = arith.extui %and3A_74 : i1 to i32
      %cond3A_76 = arith.constant 0 : i32
      %cond3A_77 = arith.cmpi ne, %convert_element_type3A_75, %cond3A_76 : i32
      scf.if %cond3A_77 {
        %rem3A = arith.constant 8 : i32
        %rem3A_104 = arith.remsi %sub3A_66, %rem3A : i32
        %rem3A_105 = arith.constant 4 : i32
        %rem3A_106 = arith.remsi %sub3A_66, %rem3A_105 : i32
        %dma_wait3A = arith.constant 0 : i32
        %dma_wait3A_107 = arith.constant 0 : i32
        %dma_wait3A_108 = tpu.memref_slice %arg7[%rem3A_106, %dma_wait3A, %dma_wait3A_107] : memref<4x80x128xf32, #tpu.memory_space<vmem>> -> memref<1x80x128xf32, #tpu.memory_space<vmem>>
        %dma_wait3A_109 = tpu.memref_squeeze %dma_wait3A_108 : memref<1x80x128xf32, #tpu.memory_space<vmem>> -> memref<80x128xf32, #tpu.memory_space<vmem>>
        %dma_wait3A_110 = arith.constant 0 : i32
        %dma_wait3A_111 = tpu.memref_slice %arg5[%rem3A_104, %dma_wait3A_110] : memref<8x80xi32, #tpu.memory_space<vmem>> -> memref<1x80xi32, #tpu.memory_space<vmem>>
        %dma_wait3A_112 = tpu.memref_squeeze %dma_wait3A_111 : memref<1x80xi32, #tpu.memory_space<vmem>> -> memref<80xi32, #tpu.memory_space<vmem>>
        %dma_wait3A_113 = arith.constant 0 : i32
        %dma_wait3A_114 = arith.constant 0 : i32
        %dma_wait3A_115 = tpu.memref_slice %arg3[%dma_wait3A_113, %dma_wait3A_114] : memref<10240x128xf32, #tpu.memory_space<hbm>> -> memref<10240x128xf32, #tpu.memory_space<hbm>>
        tpu.wait_indirect_dma semaphore(%arg10 : memref<!tpu.dma_semaphore, #tpu.memory_space<semaphore_mem>>) src(%dma_wait3A_115 : memref<10240x128xf32, #tpu.memory_space<hbm>>) dst(%dma_wait3A_109 : memref<80x128xf32, #tpu.memory_space<vmem>>)
      } else {
      }
      %sub3A_78 = arith.constant 2 : i32
      %sub3A_79 = arith.subi %scan3A_31, %sub3A_78 : i32
      %ge3A_80 = arith.constant 0 : i32
      %ge3A_81 = arith.cmpi sge, %sub3A_79, %ge3A_80 : i32
      %mul3A_82 = arith.constant 32 : i32
      %mul3A_83 = arith.muli %sub3A_79, %mul3A_82 : i32
      %add3A_84 = arith.addi %add3A, %mul3A_83 : i32
      %lt3A_85 = arith.constant 4000 : i32
      %lt3A_86 = arith.cmpi slt, %add3A_84, %lt3A_85 : i32
      %and3A_87 = arith.andi %ge3A_81, %lt3A_86 : i1
      %convert_element_type3A_88 = arith.extui %and3A_87 : i1 to i32
      %cond3A_89 = arith.constant 0 : i32
      %cond3A_90 = arith.cmpi ne, %convert_element_type3A_88, %cond3A_89 : i32
      scf.if %cond3A_90 {
        %rem3A = arith.constant 4 : i32
        %rem3A_104 = arith.remsi %sub3A_79, %rem3A : i32
        %rem3A_105 = arith.constant 8 : i32
        %rem3A_106 = arith.remsi %sub3A_79, %rem3A_105 : i32
        %dma_start3A = arith.constant 0 : i32
        %dma_start3A_107 = arith.constant 0 : i32
        %dma_start3A_108 = tpu.memref_slice %arg7[%rem3A_104, %dma_start3A, %dma_start3A_107] : memref<4x80x128xf32, #tpu.memory_space<vmem>> -> memref<1x80x128xf32, #tpu.memory_space<vmem>>
        %dma_start3A_109 = tpu.memref_squeeze %dma_start3A_108 : memref<1x80x128xf32, #tpu.memory_space<vmem>> -> memref<80x128xf32, #tpu.memory_space<vmem>>
        %dma_start3A_110 = arith.constant 0 : i32
        %dma_start3A_111 = tpu.memref_slice %arg6[%rem3A_106, %dma_start3A_110] : memref<8x80xi32, #tpu.memory_space<vmem>> -> memref<1x80xi32, #tpu.memory_space<vmem>>
        %dma_start3A_112 = tpu.memref_squeeze %dma_start3A_111 : memref<1x80xi32, #tpu.memory_space<vmem>> -> memref<80xi32, #tpu.memory_space<vmem>>
        %dma_start3A_113 = arith.constant 0 : i32
        %dma_start3A_114 = arith.constant 0 : i32
        %dma_start3A_115 = tpu.memref_slice %arg8[%dma_start3A_113, %dma_start3A_114] : memref<10240x128xf32, #tpu.memory_space<vmem_shared>> -> memref<10240x128xf32, #tpu.memory_space<vmem_shared>>
        tpu.enqueue_indirect_dma source(%dma_start3A_109 : memref<80x128xf32, #tpu.memory_space<vmem>>) target(%dma_start3A_115 : memref<10240x128xf32, #tpu.memory_space<vmem_shared>>) offsets(%dma_start3A_112 : memref<80xi32, #tpu.memory_space<vmem>>) semaphore(%arg11 : memref<!tpu.dma_semaphore, #tpu.memory_space<semaphore_mem>>) {add = true}
      } else {
      }
      %add3A_91 = arith.constant 2 : i32
      %add3A_92 = arith.addi %scan3A_31, %add3A_91 : i32
      %ge3A_93 = arith.constant 0 : i32
      %ge3A_94 = arith.cmpi sge, %add3A_92, %ge3A_93 : i32
      %mul3A_95 = arith.constant 32 : i32
      %mul3A_96 = arith.muli %add3A_92, %mul3A_95 : i32
      %add3A_97 = arith.addi %add3A, %mul3A_96 : i32
      %lt3A_98 = arith.constant 4000 : i32
      %lt3A_99 = arith.cmpi slt, %add3A_97, %lt3A_98 : i32
      %and3A_100 = arith.andi %ge3A_94, %lt3A_99 : i1
      %convert_element_type3A_101 = arith.extui %and3A_100 : i1 to i32
      %cond3A_102 = arith.constant 0 : i32
      %cond3A_103 = arith.cmpi ne, %convert_element_type3A_101, %cond3A_102 : i32
      scf.if %cond3A_103 {
        %mul3A_104 = arith.constant 32 : i32
        %mul3A_105 = arith.muli %add3A_92, %mul3A_104 : i32
        %add3A_106 = arith.addi %add3A, %mul3A_105 : i32
        %mul3A_107 = arith.constant 80 : i32
        %mul3A_108 = arith.muli %add3A_106, %mul3A_107 : i32
        %rem3A = arith.constant 8 : i32
        %rem3A_109 = arith.remsi %add3A_92, %rem3A : i32
        %dma_start3A = arith.constant 0 : i32
        %dma_start3A_110 = tpu.memref_slice %arg5[%rem3A_109, %dma_start3A] : memref<8x80xi32, #tpu.memory_space<vmem>> -> memref<1x80xi32, #tpu.memory_space<vmem>>
        %dma_start3A_111 = tpu.memref_squeeze %dma_start3A_110 : memref<1x80xi32, #tpu.memory_space<vmem>> -> memref<80xi32, #tpu.memory_space<vmem>>
        %dma_start3A_112 = tpu.memref_slice %arg2[%mul3A_108] : memref<640000xi32, #tpu.memory_space<hbm>> -> memref<80xi32, #tpu.memory_space<hbm>>
        %dma_start3A_113 = arith.constant 0 : i32
        %dma_start3A_114 = tpu.memref_slice %arg5[%rem3A_109, %dma_start3A_113] : memref<8x80xi32, #tpu.memory_space<vmem>> -> memref<1x80xi32, #tpu.memory_space<vmem>>
        %dma_start3A_115 = tpu.memref_squeeze %dma_start3A_114 : memref<1x80xi32, #tpu.memory_space<vmem>> -> memref<80xi32, #tpu.memory_space<vmem>>
        %dma_start3A_116 = tpu.memref_slice %arg2[%mul3A_108] : memref<640000xi32, #tpu.memory_space<hbm>> -> memref<80xi32, #tpu.memory_space<hbm>>
        tpu.enqueue_dma source(%dma_start3A_116 : memref<80xi32, #tpu.memory_space<hbm>>) target(%dma_start3A_115 : memref<80xi32, #tpu.memory_space<vmem>>) target_semaphore(%arg9 : memref<!tpu.dma_semaphore, #tpu.memory_space<semaphore_mem>>)
        %add3A_117 = arith.constant 320000 : i32
        %add3A_118 = arith.addi %add3A_117, %mul3A_108 : i32
        %dma_start3A_119 = arith.constant 0 : i32
        %dma_start3A_120 = tpu.memref_slice %arg6[%rem3A_109, %dma_start3A_119] : memref<8x80xi32, #tpu.memory_space<vmem>> -> memref<1x80xi32, #tpu.memory_space<vmem>>
        %dma_start3A_121 = tpu.memref_squeeze %dma_start3A_120 : memref<1x80xi32, #tpu.memory_space<vmem>> -> memref<80xi32, #tpu.memory_space<vmem>>
        %dma_start3A_122 = tpu.memref_slice %arg2[%add3A_118] : memref<640000xi32, #tpu.memory_space<hbm>> -> memref<80xi32, #tpu.memory_space<hbm>>
        %dma_start3A_123 = arith.constant 0 : i32
        %dma_start3A_124 = tpu.memref_slice %arg6[%rem3A_109, %dma_start3A_123] : memref<8x80xi32, #tpu.memory_space<vmem>> -> memref<1x80xi32, #tpu.memory_space<vmem>>
        %dma_start3A_125 = tpu.memref_squeeze %dma_start3A_124 : memref<1x80xi32, #tpu.memory_space<vmem>> -> memref<80xi32, #tpu.memory_space<vmem>>
        %dma_start3A_126 = tpu.memref_slice %arg2[%add3A_118] : memref<640000xi32, #tpu.memory_space<hbm>> -> memref<80xi32, #tpu.memory_space<hbm>>
        tpu.enqueue_dma source(%dma_start3A_126 : memref<80xi32, #tpu.memory_space<hbm>>) target(%dma_start3A_125 : memref<80xi32, #tpu.memory_space<vmem>>) target_semaphore(%arg9 : memref<!tpu.dma_semaphore, #tpu.memory_space<semaphore_mem>>)
      } else {
      }
    }
    %scan3A_29 = arith.constant 131 : i32
    %barrier3A_30 = arith.constant 0 : index
    tpu.barrier barrier_id(%barrier3A_30)
    "tpu.region"() ({
      %run_scoped3A = tpu.sem_alloc : memref<!tpu.dma_semaphore, #tpu.memory_space<semaphore_mem>>
      %dma_start3A = arith.constant 0 : i32
      %dma_start3A_31 = tpu.memref_slice %arg4[%arg0, %mul3A_2, %dma_start3A] : memref<2x10240x128xf32, #tpu.memory_space<hbm>> -> memref<1x640x128xf32, #tpu.memory_space<hbm>>
      %dma_start3A_32 = tpu.memref_squeeze %dma_start3A_31 : memref<1x640x128xf32, #tpu.memory_space<hbm>> -> memref<640x128xf32, #tpu.memory_space<hbm>>
      %dma_start3A_33 = arith.constant 0 : i32
      %dma_start3A_34 = tpu.memref_slice %arg8[%mul3A_2, %dma_start3A_33] : memref<10240x128xf32, #tpu.memory_space<vmem_shared>> -> memref<640x128xf32, #tpu.memory_space<vmem_shared>>
      tpu.enqueue_dma source(%dma_start3A_34 : memref<640x128xf32, #tpu.memory_space<vmem_shared>>) target(%dma_start3A_32 : memref<640x128xf32, #tpu.memory_space<hbm>>) target_semaphore(%run_scoped3A : memref<!tpu.dma_semaphore, #tpu.memory_space<semaphore_mem>>)
      %dma_wait3A = arith.constant 0 : i32
      %dma_wait3A_35 = tpu.memref_slice %arg4[%arg0, %mul3A_2, %dma_wait3A] : memref<2x10240x128xf32, #tpu.memory_space<hbm>> -> memref<1x640x128xf32, #tpu.memory_space<hbm>>
      %dma_wait3A_36 = tpu.memref_squeeze %dma_wait3A_35 : memref<1x640x128xf32, #tpu.memory_space<hbm>> -> memref<640x128xf32, #tpu.memory_space<hbm>>
      %dma_wait3A_37 = arith.constant 0 : i32
      %dma_wait3A_38 = tpu.memref_slice %arg8[%mul3A_2, %dma_wait3A_37] : memref<10240x128xf32, #tpu.memory_space<vmem_shared>> -> memref<640x128xf32, #tpu.memory_space<vmem_shared>>
      tpu.wait_dma2 semaphore(%run_scoped3A : memref<!tpu.dma_semaphore, #tpu.memory_space<semaphore_mem>>) src(%dma_wait3A_38 : memref<640x128xf32, #tpu.memory_space<vmem_shared>>) dst(%dma_wait3A_36 : memref<640x128xf32, #tpu.memory_space<hbm>>)
      tpu.yield
    }) : () -> ()
    return
  }
}

#map = affine_map<(d0, d1) -> (0)>
module attributes {stable_mosaic.version = 14 : i64} {
  func.func @deg_kernel(%arg0: i32, %arg1: i32, %arg2: memref<640000xi32, #tpu.memory_space<hbm>>, %arg3: memref<20480xf32, #tpu.memory_space<hbm>>, %arg4: memref<8x2x128xi32, #tpu.memory_space<vmem>>, %arg5: memref<128xf32, #tpu.memory_space<vmem>>, %arg6: memref<640xf32, #tpu.memory_space<vmem>>, %arg7: memref<10240xf32, #tpu.memory_space<vmem_shared>>, %arg8: memref<!tpu.dma_semaphore, #tpu.memory_space<semaphore_mem>>, %arg9: memref<!tpu.dma_semaphore, #tpu.memory_space<semaphore_mem>>) attributes {dimension_semantics = [#tpu.dimension_semantics<core_parallel>, #tpu.dimension_semantics<subcore_parallel>], iteration_bounds = array<i64: 2, 16>, scalar_prefetch = 0 : i64, scratch_operands = 6 : i64, tpu.core_type = #tpu.core_type<sc_vector_subcore>, window_params = [{transform_indices = #map}, {transform_indices = #map}]} {
    %mul3A = arith.constant 2 : i32
    %mul3A_0 = arith.muli %arg1, %mul3A : i32
    %add3A = arith.addi %mul3A_0, %arg0 : i32
    %mul3A_1 = arith.constant 640 : i32
    %mul3A_2 = arith.muli %arg1, %mul3A_1 : i32
    %broadcast_in_dim3A = arith.constant 0.000000e+00 : f32
    %broadcast_in_dim3A_3 = vector.broadcast %broadcast_in_dim3A : f32 to vector<16xf32>
    %scan3A = arith.constant 0 : i32
    %scan3A_4 = arith.constant 0 : i32
    %scan3A_5 = arith.constant 40 : i32
    %scan3A_6 = arith.addi %scan3A_4, %scan3A_5 : i32
    %scan3A_7 = arith.constant 1 : i32
    scf.for %scan3A_41 = %scan3A_4 to %scan3A_6 step %scan3A_7  : i32 {
      %mul3A_42 = arith.constant 16 : i32
      %mul3A_43 = arith.muli %scan3A_41, %mul3A_42 : i32
      %swap3A = arith.index_cast %mul3A_43 : i32 to index
      %swap3A_44 = tpu.vector_load %arg6[%swap3A] {strides = array<i32>} : memref<640xf32, #tpu.memory_space<vmem>>, vector<16xf32>,
      %swap3A_45 = vector.shape_cast %swap3A_44 : vector<16xf32> to vector<16xf32>
      %swap3A_46 = vector.shape_cast %broadcast_in_dim3A_3 : vector<16xf32> to vector<16xf32>
      tpu.vector_store %arg6[%swap3A], %swap3A_46 {strides = array<i32>} : memref<640xf32, #tpu.memory_space<vmem>>, vector<16xf32>,
    }
    %scan3A_8 = arith.constant 40 : i32
    %broadcast_in_dim3A_9 = arith.constant 1.000000e+00 : f32
    %broadcast_in_dim3A_10 = vector.broadcast %broadcast_in_dim3A_9 : f32 to vector<16xf32>
    %scan3A_11 = arith.constant 0 : i32
    %scan3A_12 = arith.constant 0 : i32
    %scan3A_13 = arith.constant 8 : i32
    %scan3A_14 = arith.addi %scan3A_12, %scan3A_13 : i32
    %scan3A_15 = arith.constant 1 : i32
    scf.for %scan3A_41 = %scan3A_12 to %scan3A_14 step %scan3A_15  : i32 {
      %mul3A_42 = arith.constant 16 : i32
      %mul3A_43 = arith.muli %scan3A_41, %mul3A_42 : i32
      %swap3A = arith.index_cast %mul3A_43 : i32 to index
      %swap3A_44 = tpu.vector_load %arg5[%swap3A] {strides = array<i32>} : memref<128xf32, #tpu.memory_space<vmem>>, vector<16xf32>,
      %swap3A_45 = vector.shape_cast %swap3A_44 : vector<16xf32> to vector<16xf32>
      %swap3A_46 = vector.shape_cast %broadcast_in_dim3A_10 : vector<16xf32> to vector<16xf32>
      tpu.vector_store %arg5[%swap3A], %swap3A_46 {strides = array<i32>} : memref<128xf32, #tpu.memory_space<vmem>>, vector<16xf32>,
    }
    %scan3A_16 = arith.constant 8 : i32
    "tpu.region"() ({
      %run_scoped3A = tpu.sem_alloc : memref<!tpu.dma_semaphore, #tpu.memory_space<semaphore_mem>>
      %dma_start3A = tpu.memref_slice %arg7[%mul3A_2] : memref<10240xf32, #tpu.memory_space<vmem_shared>> -> memref<640xf32, #tpu.memory_space<vmem_shared>>
      %dma_start3A_41 = tpu.memref_slice %arg7[%mul3A_2] : memref<10240xf32, #tpu.memory_space<vmem_shared>> -> memref<640xf32, #tpu.memory_space<vmem_shared>>
      tpu.enqueue_dma source(%arg6 : memref<640xf32, #tpu.memory_space<vmem>>) target(%dma_start3A_41 : memref<640xf32, #tpu.memory_space<vmem_shared>>) target_semaphore(%run_scoped3A : memref<!tpu.dma_semaphore, #tpu.memory_space<semaphore_mem>>)
      %dma_wait3A = tpu.memref_slice %arg7[%mul3A_2] : memref<10240xf32, #tpu.memory_space<vmem_shared>> -> memref<640xf32, #tpu.memory_space<vmem_shared>>
      %dma_wait3A_42 = tpu.memref_slice %arg7[%mul3A_2] : memref<10240xf32, #tpu.memory_space<vmem_shared>> -> memref<640xf32, #tpu.memory_space<vmem_shared>>
      tpu.wait_dma2 semaphore(%run_scoped3A : memref<!tpu.dma_semaphore, #tpu.memory_space<semaphore_mem>>) src(%arg6 : memref<640xf32, #tpu.memory_space<vmem>>) dst(%dma_wait3A_42 : memref<640xf32, #tpu.memory_space<vmem_shared>>)
      tpu.yield
    }) : () -> ()
    %barrier3A = arith.constant 0 : index
    tpu.barrier barrier_id(%barrier3A)
    %add3A_17 = arith.constant 0 : i32
    %add3A_18 = arith.addi %add3A, %add3A_17 : i32
    %lt3A = arith.constant 1250 : i32
    %lt3A_19 = arith.cmpi slt, %add3A_18, %lt3A : i32
    %and3A = arith.constant true
    %and3A_20 = arith.andi %and3A, %lt3A_19 : i1
    %convert_element_type3A = arith.extui %and3A_20 : i1 to i32
    %cond3A = arith.constant 0 : i32
    %cond3A_21 = arith.cmpi ne, %convert_element_type3A, %cond3A : i32
    scf.if %cond3A_21 {
      %add3A_41 = arith.constant 0 : i32
      %add3A_42 = arith.addi %add3A, %add3A_41 : i32
      %mul3A_43 = arith.constant 256 : i32
      %mul3A_44 = arith.muli %add3A_42, %mul3A_43 : i32
      %add3A_45 = arith.constant 320000 : i32
      %add3A_46 = arith.addi %add3A_45, %mul3A_44 : i32
      %rem3A = arith.constant 0 : i32
      %rem3A_47 = arith.constant 8 : i32
      %rem3A_48 = arith.remsi %rem3A, %rem3A_47 : i32
      %dma_start3A = arith.constant 0 : i32
      %dma_start3A_49 = arith.constant 0 : i32
      %dma_start3A_50 = tpu.memref_slice %arg4[%rem3A_48, %dma_start3A, %dma_start3A_49] : memref<8x2x128xi32, #tpu.memory_space<vmem>> -> memref<1x1x128xi32, #tpu.memory_space<vmem>>
      %dma_start3A_51 = tpu.memref_squeeze %dma_start3A_50 : memref<1x1x128xi32, #tpu.memory_space<vmem>> -> memref<128xi32, #tpu.memory_space<vmem>>
      %dma_start3A_52 = tpu.memref_slice %arg2[%add3A_46] : memref<640000xi32, #tpu.memory_space<hbm>> -> memref<128xi32, #tpu.memory_space<hbm>>
      %dma_start3A_53 = arith.constant 0 : i32
      %dma_start3A_54 = tpu.memref_slice %arg4[%rem3A_48, %dma_start3A, %dma_start3A_53] : memref<8x2x128xi32, #tpu.memory_space<vmem>> -> memref<1x1x128xi32, #tpu.memory_space<vmem>>
      %dma_start3A_55 = tpu.memref_squeeze %dma_start3A_54 : memref<1x1x128xi32, #tpu.memory_space<vmem>> -> memref<128xi32, #tpu.memory_space<vmem>>
      %dma_start3A_56 = tpu.memref_slice %arg2[%add3A_46] : memref<640000xi32, #tpu.memory_space<hbm>> -> memref<128xi32, #tpu.memory_space<hbm>>
      tpu.enqueue_dma source(%dma_start3A_56 : memref<128xi32, #tpu.memory_space<hbm>>) target(%dma_start3A_55 : memref<128xi32, #tpu.memory_space<vmem>>) target_semaphore(%arg8 : memref<!tpu.dma_semaphore, #tpu.memory_space<semaphore_mem>>)
      %add3A_57 = arith.constant 128 : i32
      %add3A_58 = arith.addi %add3A_46, %add3A_57 : i32
      %dma_start3A_59 = arith.constant 1 : i32
      %dma_start3A_60 = arith.constant 0 : i32
      %dma_start3A_61 = tpu.memref_slice %arg4[%rem3A_48, %dma_start3A_59, %dma_start3A_60] : memref<8x2x128xi32, #tpu.memory_space<vmem>> -> memref<1x1x128xi32, #tpu.memory_space<vmem>>
      %dma_start3A_62 = tpu.memref_squeeze %dma_start3A_61 : memref<1x1x128xi32, #tpu.memory_space<vmem>> -> memref<128xi32, #tpu.memory_space<vmem>>
      %dma_start3A_63 = tpu.memref_slice %arg2[%add3A_58] : memref<640000xi32, #tpu.memory_space<hbm>> -> memref<128xi32, #tpu.memory_space<hbm>>
      %dma_start3A_64 = arith.constant 0 : i32
      %dma_start3A_65 = tpu.memref_slice %arg4[%rem3A_48, %dma_start3A_59, %dma_start3A_64] : memref<8x2x128xi32, #tpu.memory_space<vmem>> -> memref<1x1x128xi32, #tpu.memory_space<vmem>>
      %dma_start3A_66 = tpu.memref_squeeze %dma_start3A_65 : memref<1x1x128xi32, #tpu.memory_space<vmem>> -> memref<128xi32, #tpu.memory_space<vmem>>
      %dma_start3A_67 = tpu.memref_slice %arg2[%add3A_58] : memref<640000xi32, #tpu.memory_space<hbm>> -> memref<128xi32, #tpu.memory_space<hbm>>
      tpu.enqueue_dma source(%dma_start3A_67 : memref<128xi32, #tpu.memory_space<hbm>>) target(%dma_start3A_66 : memref<128xi32, #tpu.memory_space<vmem>>) target_semaphore(%arg8 : memref<!tpu.dma_semaphore, #tpu.memory_space<semaphore_mem>>)
    } else {
    }
    %add3A_22 = arith.constant 32 : i32
    %add3A_23 = arith.addi %add3A, %add3A_22 : i32
    %lt3A_24 = arith.constant 1250 : i32
    %lt3A_25 = arith.cmpi slt, %add3A_23, %lt3A_24 : i32
    %and3A_26 = arith.constant true
    %and3A_27 = arith.andi %and3A_26, %lt3A_25 : i1
    %convert_element_type3A_28 = arith.extui %and3A_27 : i1 to i32
    %cond3A_29 = arith.constant 0 : i32
    %cond3A_30 = arith.cmpi ne, %convert_element_type3A_28, %cond3A_29 : i32
    scf.if %cond3A_30 {
      %add3A_41 = arith.constant 32 : i32
      %add3A_42 = arith.addi %add3A, %add3A_41 : i32
      %mul3A_43 = arith.constant 256 : i32
      %mul3A_44 = arith.muli %add3A_42, %mul3A_43 : i32
      %add3A_45 = arith.constant 320000 : i32
      %add3A_46 = arith.addi %add3A_45, %mul3A_44 : i32
      %rem3A = arith.constant 1 : i32
      %rem3A_47 = arith.constant 8 : i32
      %rem3A_48 = arith.remsi %rem3A, %rem3A_47 : i32
      %dma_start3A = arith.constant 0 : i32
      %dma_start3A_49 = arith.constant 0 : i32
      %dma_start3A_50 = tpu.memref_slice %arg4[%rem3A_48, %dma_start3A, %dma_start3A_49] : memref<8x2x128xi32, #tpu.memory_space<vmem>> -> memref<1x1x128xi32, #tpu.memory_space<vmem>>
      %dma_start3A_51 = tpu.memref_squeeze %dma_start3A_50 : memref<1x1x128xi32, #tpu.memory_space<vmem>> -> memref<128xi32, #tpu.memory_space<vmem>>
      %dma_start3A_52 = tpu.memref_slice %arg2[%add3A_46] : memref<640000xi32, #tpu.memory_space<hbm>> -> memref<128xi32, #tpu.memory_space<hbm>>
      %dma_start3A_53 = arith.constant 0 : i32
      %dma_start3A_54 = tpu.memref_slice %arg4[%rem3A_48, %dma_start3A, %dma_start3A_53] : memref<8x2x128xi32, #tpu.memory_space<vmem>> -> memref<1x1x128xi32, #tpu.memory_space<vmem>>
      %dma_start3A_55 = tpu.memref_squeeze %dma_start3A_54 : memref<1x1x128xi32, #tpu.memory_space<vmem>> -> memref<128xi32, #tpu.memory_space<vmem>>
      %dma_start3A_56 = tpu.memref_slice %arg2[%add3A_46] : memref<640000xi32, #tpu.memory_space<hbm>> -> memref<128xi32, #tpu.memory_space<hbm>>
      tpu.enqueue_dma source(%dma_start3A_56 : memref<128xi32, #tpu.memory_space<hbm>>) target(%dma_start3A_55 : memref<128xi32, #tpu.memory_space<vmem>>) target_semaphore(%arg8 : memref<!tpu.dma_semaphore, #tpu.memory_space<semaphore_mem>>)
      %add3A_57 = arith.constant 128 : i32
      %add3A_58 = arith.addi %add3A_46, %add3A_57 : i32
      %dma_start3A_59 = arith.constant 1 : i32
      %dma_start3A_60 = arith.constant 0 : i32
      %dma_start3A_61 = tpu.memref_slice %arg4[%rem3A_48, %dma_start3A_59, %dma_start3A_60] : memref<8x2x128xi32, #tpu.memory_space<vmem>> -> memref<1x1x128xi32, #tpu.memory_space<vmem>>
      %dma_start3A_62 = tpu.memref_squeeze %dma_start3A_61 : memref<1x1x128xi32, #tpu.memory_space<vmem>> -> memref<128xi32, #tpu.memory_space<vmem>>
      %dma_start3A_63 = tpu.memref_slice %arg2[%add3A_58] : memref<640000xi32, #tpu.memory_space<hbm>> -> memref<128xi32, #tpu.memory_space<hbm>>
      %dma_start3A_64 = arith.constant 0 : i32
      %dma_start3A_65 = tpu.memref_slice %arg4[%rem3A_48, %dma_start3A_59, %dma_start3A_64] : memref<8x2x128xi32, #tpu.memory_space<vmem>> -> memref<1x1x128xi32, #tpu.memory_space<vmem>>
      %dma_start3A_66 = tpu.memref_squeeze %dma_start3A_65 : memref<1x1x128xi32, #tpu.memory_space<vmem>> -> memref<128xi32, #tpu.memory_space<vmem>>
      %dma_start3A_67 = tpu.memref_slice %arg2[%add3A_58] : memref<640000xi32, #tpu.memory_space<hbm>> -> memref<128xi32, #tpu.memory_space<hbm>>
      tpu.enqueue_dma source(%dma_start3A_67 : memref<128xi32, #tpu.memory_space<hbm>>) target(%dma_start3A_66 : memref<128xi32, #tpu.memory_space<vmem>>) target_semaphore(%arg8 : memref<!tpu.dma_semaphore, #tpu.memory_space<semaphore_mem>>)
    } else {
    }
    %scan3A_31 = arith.constant 0 : i32
    %scan3A_32 = arith.constant 0 : i32
    %scan3A_33 = arith.constant 44 : i32
    %scan3A_34 = arith.addi %scan3A_32, %scan3A_33 : i32
    %scan3A_35 = arith.constant 1 : i32
    scf.for %scan3A_41 = %scan3A_32 to %scan3A_34 step %scan3A_35  : i32 {
      %sub3A = arith.constant 4 : i32
      %sub3A_42 = arith.subi %scan3A_41, %sub3A : i32
      %ge3A = arith.constant 0 : i32
      %ge3A_43 = arith.cmpi sge, %sub3A_42, %ge3A : i32
      %mul3A_44 = arith.constant 32 : i32
      %mul3A_45 = arith.muli %sub3A_42, %mul3A_44 : i32
      %add3A_46 = arith.addi %add3A, %mul3A_45 : i32
      %lt3A_47 = arith.constant 1250 : i32
      %lt3A_48 = arith.cmpi slt, %add3A_46, %lt3A_47 : i32
      %and3A_49 = arith.andi %ge3A_43, %lt3A_48 : i1
      %convert_element_type3A_50 = arith.extui %and3A_49 : i1 to i32
      %cond3A_51 = arith.constant 0 : i32
      %cond3A_52 = arith.cmpi ne, %convert_element_type3A_50, %cond3A_51 : i32
      scf.if %cond3A_52 {
        %rem3A = arith.constant 8 : i32
        %rem3A_88 = arith.remsi %sub3A_42, %rem3A : i32
        %dma_wait3A = arith.constant 0 : i32
        %dma_wait3A_89 = arith.constant 0 : i32
        %dma_wait3A_90 = tpu.memref_slice %arg4[%rem3A_88, %dma_wait3A, %dma_wait3A_89] : memref<8x2x128xi32, #tpu.memory_space<vmem>> -> memref<1x1x128xi32, #tpu.memory_space<vmem>>
        %dma_wait3A_91 = tpu.memref_squeeze %dma_wait3A_90 : memref<1x1x128xi32, #tpu.memory_space<vmem>> -> memref<128xi32, #tpu.memory_space<vmem>>
        %dma_wait3A_92 = arith.constant 0 : i32
        %dma_wait3A_93 = tpu.memref_slice %arg7[%dma_wait3A_92] : memref<10240xf32, #tpu.memory_space<vmem_shared>> -> memref<10240xf32, #tpu.memory_space<vmem_shared>>
        tpu.wait_indirect_dma semaphore(%arg9 : memref<!tpu.dma_semaphore, #tpu.memory_space<semaphore_mem>>) src(%arg5 : memref<128xf32, #tpu.memory_space<vmem>>) dst(%dma_wait3A_93 : memref<10240xf32, #tpu.memory_space<vmem_shared>>)
        %dma_wait3A_94 = arith.constant 1 : i32
        %dma_wait3A_95 = arith.constant 0 : i32
        %dma_wait3A_96 = tpu.memref_slice %arg4[%rem3A_88, %dma_wait3A_94, %dma_wait3A_95] : memref<8x2x128xi32, #tpu.memory_space<vmem>> -> memref<1x1x128xi32, #tpu.memory_space<vmem>>
        %dma_wait3A_97 = tpu.memref_squeeze %dma_wait3A_96 : memref<1x1x128xi32, #tpu.memory_space<vmem>> -> memref<128xi32, #tpu.memory_space<vmem>>
        %dma_wait3A_98 = arith.constant 0 : i32
        %dma_wait3A_99 = tpu.memref_slice %arg7[%dma_wait3A_98] : memref<10240xf32, #tpu.memory_space<vmem_shared>> -> memref<10240xf32, #tpu.memory_space<vmem_shared>>
        tpu.wait_indirect_dma semaphore(%arg9 : memref<!tpu.dma_semaphore, #tpu.memory_space<semaphore_mem>>) src(%arg5 : memref<128xf32, #tpu.memory_space<vmem>>) dst(%dma_wait3A_99 : memref<10240xf32, #tpu.memory_space<vmem_shared>>)
      } else {
      }
      %ge3A_53 = arith.constant 0 : i32
      %ge3A_54 = arith.cmpi sge, %scan3A_41, %ge3A_53 : i32
      %mul3A_55 = arith.constant 32 : i32
      %mul3A_56 = arith.muli %scan3A_41, %mul3A_55 : i32
      %add3A_57 = arith.addi %add3A, %mul3A_56 : i32
      %lt3A_58 = arith.constant 1250 : i32
      %lt3A_59 = arith.cmpi slt, %add3A_57, %lt3A_58 : i32
      %and3A_60 = arith.andi %ge3A_54, %lt3A_59 : i1
      %convert_element_type3A_61 = arith.extui %and3A_60 : i1 to i32
      %cond3A_62 = arith.constant 0 : i32
      %cond3A_63 = arith.cmpi ne, %convert_element_type3A_61, %cond3A_62 : i32
      scf.if %cond3A_63 {
        %mul3A_88 = arith.constant 32 : i32
        %mul3A_89 = arith.muli %scan3A_41, %mul3A_88 : i32
        %add3A_90 = arith.addi %add3A, %mul3A_89 : i32
        %mul3A_91 = arith.constant 256 : i32
        %mul3A_92 = arith.muli %add3A_90, %mul3A_91 : i32
        %add3A_93 = arith.constant 320000 : i32
        %add3A_94 = arith.addi %add3A_93, %mul3A_92 : i32
        %rem3A = arith.constant 8 : i32
        %rem3A_95 = arith.remsi %scan3A_41, %rem3A : i32
        %dma_wait3A = arith.constant 0 : i32
        %dma_wait3A_96 = arith.constant 0 : i32
        %dma_wait3A_97 = tpu.memref_slice %arg4[%rem3A_95, %dma_wait3A, %dma_wait3A_96] : memref<8x2x128xi32, #tpu.memory_space<vmem>> -> memref<1x1x128xi32, #tpu.memory_space<vmem>>
        %dma_wait3A_98 = tpu.memref_squeeze %dma_wait3A_97 : memref<1x1x128xi32, #tpu.memory_space<vmem>> -> memref<128xi32, #tpu.memory_space<vmem>>
        %dma_wait3A_99 = tpu.memref_slice %arg2[%add3A_94] : memref<640000xi32, #tpu.memory_space<hbm>> -> memref<128xi32, #tpu.memory_space<hbm>>
        %dma_wait3A_100 = arith.constant 0 : i32
        %dma_wait3A_101 = tpu.memref_slice %arg4[%rem3A_95, %dma_wait3A, %dma_wait3A_100] : memref<8x2x128xi32, #tpu.memory_space<vmem>> -> memref<1x1x128xi32, #tpu.memory_space<vmem>>
        %dma_wait3A_102 = tpu.memref_squeeze %dma_wait3A_101 : memref<1x1x128xi32, #tpu.memory_space<vmem>> -> memref<128xi32, #tpu.memory_space<vmem>>
        %dma_wait3A_103 = tpu.memref_slice %arg2[%add3A_94] : memref<640000xi32, #tpu.memory_space<hbm>> -> memref<128xi32, #tpu.memory_space<hbm>>
        tpu.wait_dma2 semaphore(%arg8 : memref<!tpu.dma_semaphore, #tpu.memory_space<semaphore_mem>>) src(%dma_wait3A_103 : memref<128xi32, #tpu.memory_space<hbm>>) dst(%dma_wait3A_102 : memref<128xi32, #tpu.memory_space<vmem>>)
        %add3A_104 = arith.constant 128 : i32
        %add3A_105 = arith.addi %add3A_94, %add3A_104 : i32
        %dma_wait3A_106 = arith.constant 1 : i32
        %dma_wait3A_107 = arith.constant 0 : i32
        %dma_wait3A_108 = tpu.memref_slice %arg4[%rem3A_95, %dma_wait3A_106, %dma_wait3A_107] : memref<8x2x128xi32, #tpu.memory_space<vmem>> -> memref<1x1x128xi32, #tpu.memory_space<vmem>>
        %dma_wait3A_109 = tpu.memref_squeeze %dma_wait3A_108 : memref<1x1x128xi32, #tpu.memory_space<vmem>> -> memref<128xi32, #tpu.memory_space<vmem>>
        %dma_wait3A_110 = tpu.memref_slice %arg2[%add3A_105] : memref<640000xi32, #tpu.memory_space<hbm>> -> memref<128xi32, #tpu.memory_space<hbm>>
        %dma_wait3A_111 = arith.constant 0 : i32
        %dma_wait3A_112 = tpu.memref_slice %arg4[%rem3A_95, %dma_wait3A_106, %dma_wait3A_111] : memref<8x2x128xi32, #tpu.memory_space<vmem>> -> memref<1x1x128xi32, #tpu.memory_space<vmem>>
        %dma_wait3A_113 = tpu.memref_squeeze %dma_wait3A_112 : memref<1x1x128xi32, #tpu.memory_space<vmem>> -> memref<128xi32, #tpu.memory_space<vmem>>
        %dma_wait3A_114 = tpu.memref_slice %arg2[%add3A_105] : memref<640000xi32, #tpu.memory_space<hbm>> -> memref<128xi32, #tpu.memory_space<hbm>>
        tpu.wait_dma2 semaphore(%arg8 : memref<!tpu.dma_semaphore, #tpu.memory_space<semaphore_mem>>) src(%dma_wait3A_114 : memref<128xi32, #tpu.memory_space<hbm>>) dst(%dma_wait3A_113 : memref<128xi32, #tpu.memory_space<vmem>>)
      } else {
      }
      %ge3A_64 = arith.constant 0 : i32
      %ge3A_65 = arith.cmpi sge, %scan3A_41, %ge3A_64 : i32
      %mul3A_66 = arith.constant 32 : i32
      %mul3A_67 = arith.muli %scan3A_41, %mul3A_66 : i32
      %add3A_68 = arith.addi %add3A, %mul3A_67 : i32
      %lt3A_69 = arith.constant 1250 : i32
      %lt3A_70 = arith.cmpi slt, %add3A_68, %lt3A_69 : i32
      %and3A_71 = arith.andi %ge3A_65, %lt3A_70 : i1
      %convert_element_type3A_72 = arith.extui %and3A_71 : i1 to i32
      %cond3A_73 = arith.constant 0 : i32
      %cond3A_74 = arith.cmpi ne, %convert_element_type3A_72, %cond3A_73 : i32
      scf.if %cond3A_74 {
        %rem3A = arith.constant 8 : i32
        %rem3A_88 = arith.remsi %scan3A_41, %rem3A : i32
        %dma_start3A = arith.constant 0 : i32
        %dma_start3A_89 = arith.constant 0 : i32
        %dma_start3A_90 = tpu.memref_slice %arg4[%rem3A_88, %dma_start3A, %dma_start3A_89] : memref<8x2x128xi32, #tpu.memory_space<vmem>> -> memref<1x1x128xi32, #tpu.memory_space<vmem>>
        %dma_start3A_91 = tpu.memref_squeeze %dma_start3A_90 : memref<1x1x128xi32, #tpu.memory_space<vmem>> -> memref<128xi32, #tpu.memory_space<vmem>>
        %dma_start3A_92 = arith.constant 0 : i32
        %dma_start3A_93 = tpu.memref_slice %arg7[%dma_start3A_92] : memref<10240xf32, #tpu.memory_space<vmem_shared>> -> memref<10240xf32, #tpu.memory_space<vmem_shared>>
        tpu.enqueue_indirect_dma source(%arg5 : memref<128xf32, #tpu.memory_space<vmem>>) target(%dma_start3A_93 : memref<10240xf32, #tpu.memory_space<vmem_shared>>) offsets(%dma_start3A_91 : memref<128xi32, #tpu.memory_space<vmem>>) semaphore(%arg9 : memref<!tpu.dma_semaphore, #tpu.memory_space<semaphore_mem>>) {add = true}
        %dma_start3A_94 = arith.constant 1 : i32
        %dma_start3A_95 = arith.constant 0 : i32
        %dma_start3A_96 = tpu.memref_slice %arg4[%rem3A_88, %dma_start3A_94, %dma_start3A_95] : memref<8x2x128xi32, #tpu.memory_space<vmem>> -> memref<1x1x128xi32, #tpu.memory_space<vmem>>
        %dma_start3A_97 = tpu.memref_squeeze %dma_start3A_96 : memref<1x1x128xi32, #tpu.memory_space<vmem>> -> memref<128xi32, #tpu.memory_space<vmem>>
        %dma_start3A_98 = arith.constant 0 : i32
        %dma_start3A_99 = tpu.memref_slice %arg7[%dma_start3A_98] : memref<10240xf32, #tpu.memory_space<vmem_shared>> -> memref<10240xf32, #tpu.memory_space<vmem_shared>>
        tpu.enqueue_indirect_dma source(%arg5 : memref<128xf32, #tpu.memory_space<vmem>>) target(%dma_start3A_99 : memref<10240xf32, #tpu.memory_space<vmem_shared>>) offsets(%dma_start3A_97 : memref<128xi32, #tpu.memory_space<vmem>>) semaphore(%arg9 : memref<!tpu.dma_semaphore, #tpu.memory_space<semaphore_mem>>) {add = true}
      } else {
      }
      %add3A_75 = arith.constant 2 : i32
      %add3A_76 = arith.addi %scan3A_41, %add3A_75 : i32
      %ge3A_77 = arith.constant 0 : i32
      %ge3A_78 = arith.cmpi sge, %add3A_76, %ge3A_77 : i32
      %mul3A_79 = arith.constant 32 : i32
      %mul3A_80 = arith.muli %add3A_76, %mul3A_79 : i32
      %add3A_81 = arith.addi %add3A, %mul3A_80 : i32
      %lt3A_82 = arith.constant 1250 : i32
      %lt3A_83 = arith.cmpi slt, %add3A_81, %lt3A_82 : i32
      %and3A_84 = arith.andi %ge3A_78, %lt3A_83 : i1
      %convert_element_type3A_85 = arith.extui %and3A_84 : i1 to i32
      %cond3A_86 = arith.constant 0 : i32
      %cond3A_87 = arith.cmpi ne, %convert_element_type3A_85, %cond3A_86 : i32
      scf.if %cond3A_87 {
        %mul3A_88 = arith.constant 32 : i32
        %mul3A_89 = arith.muli %add3A_76, %mul3A_88 : i32
        %add3A_90 = arith.addi %add3A, %mul3A_89 : i32
        %mul3A_91 = arith.constant 256 : i32
        %mul3A_92 = arith.muli %add3A_90, %mul3A_91 : i32
        %add3A_93 = arith.constant 320000 : i32
        %add3A_94 = arith.addi %add3A_93, %mul3A_92 : i32
        %rem3A = arith.constant 8 : i32
        %rem3A_95 = arith.remsi %add3A_76, %rem3A : i32
        %dma_start3A = arith.constant 0 : i32
        %dma_start3A_96 = arith.constant 0 : i32
        %dma_start3A_97 = tpu.memref_slice %arg4[%rem3A_95, %dma_start3A, %dma_start3A_96] : memref<8x2x128xi32, #tpu.memory_space<vmem>> -> memref<1x1x128xi32, #tpu.memory_space<vmem>>
        %dma_start3A_98 = tpu.memref_squeeze %dma_start3A_97 : memref<1x1x128xi32, #tpu.memory_space<vmem>> -> memref<128xi32, #tpu.memory_space<vmem>>
        %dma_start3A_99 = tpu.memref_slice %arg2[%add3A_94] : memref<640000xi32, #tpu.memory_space<hbm>> -> memref<128xi32, #tpu.memory_space<hbm>>
        %dma_start3A_100 = arith.constant 0 : i32
        %dma_start3A_101 = tpu.memref_slice %arg4[%rem3A_95, %dma_start3A, %dma_start3A_100] : memref<8x2x128xi32, #tpu.memory_space<vmem>> -> memref<1x1x128xi32, #tpu.memory_space<vmem>>
        %dma_start3A_102 = tpu.memref_squeeze %dma_start3A_101 : memref<1x1x128xi32, #tpu.memory_space<vmem>> -> memref<128xi32, #tpu.memory_space<vmem>>
        %dma_start3A_103 = tpu.memref_slice %arg2[%add3A_94] : memref<640000xi32, #tpu.memory_space<hbm>> -> memref<128xi32, #tpu.memory_space<hbm>>
        tpu.enqueue_dma source(%dma_start3A_103 : memref<128xi32, #tpu.memory_space<hbm>>) target(%dma_start3A_102 : memref<128xi32, #tpu.memory_space<vmem>>) target_semaphore(%arg8 : memref<!tpu.dma_semaphore, #tpu.memory_space<semaphore_mem>>)
        %add3A_104 = arith.constant 128 : i32
        %add3A_105 = arith.addi %add3A_94, %add3A_104 : i32
        %dma_start3A_106 = arith.constant 1 : i32
        %dma_start3A_107 = arith.constant 0 : i32
        %dma_start3A_108 = tpu.memref_slice %arg4[%rem3A_95, %dma_start3A_106, %dma_start3A_107] : memref<8x2x128xi32, #tpu.memory_space<vmem>> -> memref<1x1x128xi32, #tpu.memory_space<vmem>>
        %dma_start3A_109 = tpu.memref_squeeze %dma_start3A_108 : memref<1x1x128xi32, #tpu.memory_space<vmem>> -> memref<128xi32, #tpu.memory_space<vmem>>
        %dma_start3A_110 = tpu.memref_slice %arg2[%add3A_105] : memref<640000xi32, #tpu.memory_space<hbm>> -> memref<128xi32, #tpu.memory_space<hbm>>
        %dma_start3A_111 = arith.constant 0 : i32
        %dma_start3A_112 = tpu.memref_slice %arg4[%rem3A_95, %dma_start3A_106, %dma_start3A_111] : memref<8x2x128xi32, #tpu.memory_space<vmem>> -> memref<1x1x128xi32, #tpu.memory_space<vmem>>
        %dma_start3A_113 = tpu.memref_squeeze %dma_start3A_112 : memref<1x1x128xi32, #tpu.memory_space<vmem>> -> memref<128xi32, #tpu.memory_space<vmem>>
        %dma_start3A_114 = tpu.memref_slice %arg2[%add3A_105] : memref<640000xi32, #tpu.memory_space<hbm>> -> memref<128xi32, #tpu.memory_space<hbm>>
        tpu.enqueue_dma source(%dma_start3A_114 : memref<128xi32, #tpu.memory_space<hbm>>) target(%dma_start3A_113 : memref<128xi32, #tpu.memory_space<vmem>>) target_semaphore(%arg8 : memref<!tpu.dma_semaphore, #tpu.memory_space<semaphore_mem>>)
      } else {
      }
    }
    %scan3A_36 = arith.constant 44 : i32
    %barrier3A_37 = arith.constant 0 : index
    tpu.barrier barrier_id(%barrier3A_37)
    %mul3A_38 = arith.constant 10240 : i32
    %mul3A_39 = arith.muli %arg0, %mul3A_38 : i32
    %add3A_40 = arith.addi %mul3A_39, %mul3A_2 : i32
    "tpu.region"() ({
      %run_scoped3A = tpu.sem_alloc : memref<!tpu.dma_semaphore, #tpu.memory_space<semaphore_mem>>
      %dma_start3A = tpu.memref_slice %arg3[%add3A_40] : memref<20480xf32, #tpu.memory_space<hbm>> -> memref<640xf32, #tpu.memory_space<hbm>>
      %dma_start3A_41 = tpu.memref_slice %arg7[%mul3A_2] : memref<10240xf32, #tpu.memory_space<vmem_shared>> -> memref<640xf32, #tpu.memory_space<vmem_shared>>
      tpu.enqueue_dma source(%dma_start3A_41 : memref<640xf32, #tpu.memory_space<vmem_shared>>) target(%dma_start3A : memref<640xf32, #tpu.memory_space<hbm>>) target_semaphore(%run_scoped3A : memref<!tpu.dma_semaphore, #tpu.memory_space<semaphore_mem>>)
      %dma_wait3A = tpu.memref_slice %arg3[%add3A_40] : memref<20480xf32, #tpu.memory_space<hbm>> -> memref<640xf32, #tpu.memory_space<hbm>>
      %dma_wait3A_42 = tpu.memref_slice %arg7[%mul3A_2] : memref<10240xf32, #tpu.memory_space<vmem_shared>> -> memref<640xf32, #tpu.memory_space<vmem_shared>>
      tpu.wait_dma2 semaphore(%run_scoped3A : memref<!tpu.dma_semaphore, #tpu.memory_space<semaphore_mem>>) src(%dma_wait3A_42 : memref<640xf32, #tpu.memory_space<vmem_shared>>) dst(%dma_wait3A : memref<640xf32, #tpu.memory_space<hbm>>)
      tpu.yield
    }) : () -> ()
    return
  }
}

module attributes {stable_mosaic.version = 14 : i64} {
  func.func @_flat_body(%arg0: memref<2x320000xi32, #tpu.memory_space<vmem>>, %arg1: memref<640000xi32, #tpu.memory_space<vmem>>) attributes {dimension_semantics = [], scalar_prefetch = 0 : i64, scratch_operands = 0 : i64, tpu.core_type = #tpu.core_type<tc>} {
    %get3A = arith.constant 0 : index
    %get3A_0 = arith.constant 0 : index
    %get3A_1 = vector.load %arg0[%get3A, %get3A_0] : memref<2x320000xi32, #tpu.memory_space<vmem>>, vector<1x320000xi32>
    %get3A_2 = vector.shape_cast %get3A_1 : vector<1x320000xi32> to vector<320000xi32>
    %swap3A = arith.constant 0 : index
    %swap3A_3 = vector.load %arg1[%swap3A] : memref<640000xi32, #tpu.memory_space<vmem>>, vector<320000xi32>
    tpu.vector_store %arg1[%swap3A], %get3A_2 {strides = array<i32>} : memref<640000xi32, #tpu.memory_space<vmem>>, vector<320000xi32>,
    %get3A_4 = arith.constant 1 : index
    %get3A_5 = arith.constant 0 : index
    %get3A_6 = vector.load %arg0[%get3A_4, %get3A_5] : memref<2x320000xi32, #tpu.memory_space<vmem>>, vector<1x320000xi32>
    %get3A_7 = vector.shape_cast %get3A_6 : vector<1x320000xi32> to vector<320000xi32>
    %swap3A_8 = arith.constant 320000 : index
    %swap3A_9 = vector.load %arg1[%swap3A_8] : memref<640000xi32, #tpu.memory_space<vmem>>, vector<320000xi32>
    tpu.vector_store %arg1[%swap3A_8], %get3A_7 {strides = array<i32>} : memref<640000xi32, #tpu.memory_space<vmem>>, vector<320000xi32>,
    return
  }
}

module attributes {stable_mosaic.version = 14 : i64} {
  func.func @_dense_body(%arg0: memref<10000x128xf32, #tpu.memory_space<vmem>>, %arg1: memref<128x128xf32, #tpu.memory_space<vmem>>, %arg2: memref<128xf32, #tpu.memory_space<vmem>>, %arg3: memref<128xf32, #tpu.memory_space<vmem>>, %arg4: memref<20480xf32, #tpu.memory_space<vmem>>, %arg5: memref<10240x128xf32, #tpu.memory_space<vmem>>, %arg6: memref<10000x1xf32, #tpu.memory_space<vmem>>) attributes {dimension_semantics = [], scalar_prefetch = 0 : i64, scratch_operands = 0 : i64, tpu.core_type = #tpu.core_type<tc>} {
    %get3A = arith.constant 0 : index
    %get3A_0 = arith.constant 0 : index
    %get3A_1 = vector.load %arg0[%get3A, %get3A_0] : memref<10000x128xf32, #tpu.memory_space<vmem>>, vector<10000x128xf32>
    %reduce_sum3A = arith.constant dense<0.000000e+00> : vector<128xf32>
    %reduce_sum3A_2 = vector.multi_reduction <add>, %get3A_1, %reduce_sum3A [0] : vector<10000x128xf32> to vector<128xf32>
    %broadcast_in_dim3A = vector.shape_cast %reduce_sum3A_2 : vector<128xf32> to vector<1x128xf32>
    %div3A = arith.constant 1.000000e+04 : f32
    %div3A_3 = vector.broadcast %div3A : f32 to vector<1x128xf32>
    %div3A_4 = arith.divf %broadcast_in_dim3A, %div3A_3 : vector<1x128xf32>
    %sub3A = vector.broadcast %div3A_4 : vector<1x128xf32> to vector<10000x128xf32>
    %sub3A_5 = arith.subf %get3A_1, %sub3A : vector<10000x128xf32>
    %integer_pow3A = arith.mulf %sub3A_5, %sub3A_5 : vector<10000x128xf32>
    %reduce_sum3A_6 = arith.constant dense<0.000000e+00> : vector<128xf32>
    %reduce_sum3A_7 = vector.multi_reduction <add>, %integer_pow3A, %reduce_sum3A_6 [0] : vector<10000x128xf32> to vector<128xf32>
    %broadcast_in_dim3A_8 = vector.shape_cast %reduce_sum3A_7 : vector<128xf32> to vector<1x128xf32>
    %div3A_9 = arith.constant 1.000000e+04 : f32
    %div3A_10 = vector.broadcast %div3A_9 : f32 to vector<1x128xf32>
    %div3A_11 = arith.divf %broadcast_in_dim3A_8, %div3A_10 : vector<1x128xf32>
    %sub3A_12 = vector.broadcast %div3A_4 : vector<1x128xf32> to vector<10000x128xf32>
    %sub3A_13 = arith.subf %get3A_1, %sub3A_12 : vector<10000x128xf32>
    %add3A = arith.constant 9.99999974E-6 : f32
    %add3A_14 = vector.broadcast %add3A : f32 to vector<1x128xf32>
    %add3A_15 = arith.addf %div3A_11, %add3A_14 : vector<1x128xf32>
    %rsqrt3A = math.rsqrt %add3A_15 : vector<1x128xf32>
    %mul3A = vector.broadcast %rsqrt3A : vector<1x128xf32> to vector<10000x128xf32>
    %mul3A_16 = arith.mulf %sub3A_13, %mul3A : vector<10000x128xf32>
    %get3A_17 = arith.constant 0 : index
    %get3A_18 = vector.load %arg2[%get3A_17] : memref<128xf32, #tpu.memory_space<vmem>>, vector<128xf32>
    %broadcast_in_dim3A_19 = vector.shape_cast %get3A_18 : vector<128xf32> to vector<1x128xf32>
    %mul3A_20 = vector.broadcast %broadcast_in_dim3A_19 : vector<1x128xf32> to vector<10000x128xf32>
    %mul3A_21 = arith.mulf %mul3A_16, %mul3A_20 : vector<10000x128xf32>
    %get3A_22 = arith.constant 0 : index
    %get3A_23 = vector.load %arg3[%get3A_22] : memref<128xf32, #tpu.memory_space<vmem>>, vector<128xf32>
    %broadcast_in_dim3A_24 = vector.shape_cast %get3A_23 : vector<128xf32> to vector<1x128xf32>
    %add3A_25 = vector.broadcast %broadcast_in_dim3A_24 : vector<1x128xf32> to vector<10000x128xf32>
    %add3A_26 = arith.addf %mul3A_21, %add3A_25 : vector<10000x128xf32>
    %get3A_27 = arith.constant 0 : index
    %get3A_28 = arith.constant 0 : index
    %get3A_29 = vector.load %arg1[%get3A_27, %get3A_28] : memref<128x128xf32, #tpu.memory_space<vmem>>, vector<128x128xf32>
    %dot_general3A = arith.constant dense<0.000000e+00> : vector<10000x128xf32>
    %dot_general3A_30 = tpu.matmul %add3A_26, %get3A_29, %dot_general3A {dimension_numbers = #tpu.dot_dimension_numbers<[1], [0], [0], [1], [0, 0, 1, 1], [], []>, transpose_lhs_hint = false} : vector<10000x128xf32>, vector<128x128xf32>, vector<10000x128xf32> -> vector<10000x128xf32>
    %get3A_31 = arith.constant 0 : index
    %get3A_32 = vector.load %arg4[%get3A_31] : memref<20480xf32, #tpu.memory_space<vmem>>, vector<20480xf32>
    %slice3A = vector.extract_strided_slice %get3A_32 {offsets = [0], sizes = [10240], strides = [1]} : vector<20480xf32> to vector<10240xf32>
    %slice3A_33 = vector.extract_strided_slice %get3A_32 {offsets = [10240], sizes = [10240], strides = [1]} : vector<20480xf32> to vector<10240xf32>
    %add3A_34 = arith.addf %slice3A, %slice3A_33 : vector<10240xf32>
    %add3A_35 = arith.constant 1.000000e+00 : f32
    %add3A_36 = vector.broadcast %add3A_35 : f32 to vector<10240xf32>
    %add3A_37 = arith.addf %add3A_34, %add3A_36 : vector<10240xf32>
    %reshape3A = vector.shape_cast %add3A_37 : vector<10240xf32> to vector<1x10240xf32>
    %transpose3A = tpu.transpose %reshape3A, [1, 0] : vector<1x10240xf32> -> vector<10240x1xf32>
    %slice3A_38 = vector.extract_strided_slice %transpose3A {offsets = [0, 0], sizes = [10000, 1], strides = [1, 1]} : vector<10240x1xf32> to vector<10000x1xf32>
    %rsqrt3A_39 = math.rsqrt %slice3A_38 : vector<10000x1xf32>
    %mul3A_40 = vector.broadcast %rsqrt3A_39 : vector<10000x1xf32> to vector<10000x128xf32>
    %mul3A_41 = arith.mulf %dot_general3A_30, %mul3A_40 : vector<10000x128xf32>
    %swap3A = arith.constant 0 : index
    %swap3A_42 = arith.constant 0 : index
    %swap3A_43 = vector.load %arg5[%swap3A, %swap3A_42] : memref<10240x128xf32, #tpu.memory_space<vmem>>, vector<10000x128xf32>
    tpu.vector_store %arg5[%swap3A, %swap3A_42], %mul3A_41 {strides = array<i32>} : memref<10240x128xf32, #tpu.memory_space<vmem>>, vector<10000x128xf32>,
    %swap3A_44 = arith.constant 0 : index
    %swap3A_45 = arith.constant 0 : index
    %swap3A_46 = vector.load %arg6[%swap3A_44, %swap3A_45] : memref<10000x1xf32, #tpu.memory_space<vmem>>, vector<10000x1xf32>
    tpu.vector_store %arg6[%swap3A_44, %swap3A_45], %rsqrt3A_39 {strides = array<i32>} : memref<10000x1xf32, #tpu.memory_space<vmem>>, vector<10000x1xf32>,
    return
  }
}

module attributes {stable_mosaic.version = 14 : i64} {
  func.func @_out_body(%arg0: i32, %arg1: memref<2x2000x128xf32, #tpu.memory_space<vmem>>, %arg2: memref<2000x1xf32, #tpu.memory_space<vmem>>, %arg3: memref<128xf32, #tpu.memory_space<vmem>>, %arg4: memref<2000x128xf32, #tpu.memory_space<vmem>>, %arg5: memref<2000x256xf32, #tpu.memory_space<vmem>>) attributes {dimension_semantics = [#tpu.dimension_semantics<arbitrary>], iteration_bounds = array<i64: 5>, scalar_prefetch = 0 : i64, scratch_operands = 0 : i64, tpu.core_type = #tpu.core_type<tc>, window_params = [{transform_indices = @transform_0, window_bounds = array<i64: 2, 2000, 128>}, {transform_indices = @transform_1, window_bounds = array<i64: 2000, 1>}, {pipeline_mode = #tpu.pipeline_mode<synchronous>, transform_indices = @transform_2, window_bounds = array<i64: 128>}, {transform_indices = @transform_3, window_bounds = array<i64: 2000, 128>}, {transform_indices = @transform_4, window_bounds = array<i64: 2000, 256>}]} {
    %get3A = arith.constant 0 : index
    %get3A_0 = arith.constant 0 : index
    %get3A_1 = arith.constant 0 : index
    %get3A_2 = vector.load %arg1[%get3A, %get3A_0, %get3A_1] : memref<2x2000x128xf32, #tpu.memory_space<vmem>>, vector<1x2000x128xf32>
    %get3A_3 = vector.shape_cast %get3A_2 : vector<1x2000x128xf32> to vector<2000x128xf32>
    %get3A_4 = arith.constant 1 : index
    %get3A_5 = arith.constant 0 : index
    %get3A_6 = arith.constant 0 : index
    %get3A_7 = vector.load %arg1[%get3A_4, %get3A_5, %get3A_6] : memref<2x2000x128xf32, #tpu.memory_space<vmem>>, vector<1x2000x128xf32>
    %get3A_8 = vector.shape_cast %get3A_7 : vector<1x2000x128xf32> to vector<2000x128xf32>
    %add3A = arith.addf %get3A_3, %get3A_8 : vector<2000x128xf32>
    %get3A_9 = arith.constant 0 : index
    %get3A_10 = arith.constant 0 : index
    %get3A_11 = vector.load %arg2[%get3A_9, %get3A_10] : memref<2000x1xf32, #tpu.memory_space<vmem>>, vector<2000x1xf32>
    %mul3A = vector.broadcast %get3A_11 : vector<2000x1xf32> to vector<2000x128xf32>
    %mul3A_12 = arith.mulf %add3A, %mul3A : vector<2000x128xf32>
    %get3A_13 = arith.constant 0 : index
    %get3A_14 = vector.load %arg3[%get3A_13] : memref<128xf32, #tpu.memory_space<vmem>>, vector<128xf32>
    %broadcast_in_dim3A = vector.shape_cast %get3A_14 : vector<128xf32> to vector<1x128xf32>
    %add3A_15 = vector.broadcast %broadcast_in_dim3A : vector<1x128xf32> to vector<2000x128xf32>
    %add3A_16 = arith.addf %mul3A_12, %add3A_15 : vector<2000x128xf32>
    %max3A = arith.constant 0.000000e+00 : f32
    %max3A_17 = vector.broadcast %max3A : f32 to vector<2000x128xf32>
    %max3A_18 = arith.maximumf %add3A_16, %max3A_17 : vector<2000x128xf32>
    %get3A_19 = arith.constant 0 : index
    %get3A_20 = arith.constant 0 : index
    %get3A_21 = vector.load %arg4[%get3A_19, %get3A_20] : memref<2000x128xf32, #tpu.memory_space<vmem>>, vector<2000x128xf32>
    %concatenate3A = tpu.concatenate %max3A_18, %get3A_21 in 1 : vector<2000x128xf32>, vector<2000x128xf32> -> vector<2000x256xf32>
    %swap3A = arith.constant 0 : index
    %swap3A_22 = arith.constant 0 : index
    %swap3A_23 = vector.load %arg5[%swap3A, %swap3A_22] : memref<2000x256xf32, #tpu.memory_space<vmem>>, vector<2000x256xf32>
    tpu.vector_store %arg5[%swap3A, %swap3A_22], %concatenate3A {strides = array<i32>} : memref<2000x256xf32, #tpu.memory_space<vmem>>, vector<2000x256xf32>,
    return
  }
  func.func @transform_0(%arg0: i32) -> (i32, i32, i32) {
    %c0_i32 = arith.constant 0 : i32
    %c0_i32_0 = arith.constant 0 : i32
    %c0_i32_1 = arith.constant 0 : i32
    return %c0_i32, %arg0, %c0_i32_0 : i32, i32, i32
  }
  func.func @transform_1(%arg0: i32) -> (i32, i32) {
    %c0_i32 = arith.constant 0 : i32
    %c0_i32_0 = arith.constant 0 : i32
    return %arg0, %c0_i32 : i32, i32
  }
  func.func @transform_2(%arg0: i32) -> i32 {
    %c0_i32 = arith.constant 0 : i32
    %c0_i32_0 = arith.constant 0 : i32
    return %c0_i32 : i32
  }
  func.func @transform_3(%arg0: i32) -> (i32, i32) {
    %c0_i32 = arith.constant 0 : i32
    %c0_i32_0 = arith.constant 0 : i32
    return %arg0, %c0_i32 : i32, i32
  }
  func.func @transform_4(%arg0: i32) -> (i32, i32) {
    %c0_i32 = arith.constant 0 : i32
    %c0_i32_0 = arith.constant 0 : i32
    return %arg0, %c0_i32 : i32, i32
  }
}

</mosaic_0001>

<sc_bundles>
// kernel: kernel.10.cloned.1.call-start
scs
__scs_entry_jumppad:
0x0: {  	(pc) =	sbr.rel $0x88, $3  }
0x1: {  	(tag) =	ssettag $0x0;
	lr =	simm.s32 $0x1  }
0x2: {  	[smem:$0x3F9B] =	sst lr;
	_ =	strace $0xD0000000  }
0x3: {  	_ = 	snop  }
0x4: {  	_ = 	snop  }
0x5: {  	_ = 	snop  }
0x6: {  	_ = 	snop  }
0x7: {  	_ = 	snop  }
__scs_overlays_trampoline_lowered:
0x8: {  	[smem:$0x3FAA] =	sst s0  }
0x9: {  	[smem:$0x3FAB] =	sst s1  }
0xa: {  	[smem:$0x3FAC] =	sst s2  }
0xb: {  	[smem:$0x3FAD] =	sst s3  }
0xc: {  	[smem:$0x3FAE] =	sst s4  }
0xd: {  	[smem:$0x3FAF] =	sst s5  }
0xe: {  	[smem:$0x3FB0] =	sst s6  }
0xf: {  	[smem:$0x3FB1] =	sst s7  }
0x10: {  	[smem:$0x3FB2] =	sst s8  }
0x11: {  	[smem:$0x3FB3] =	sst s9;
	s0 =	simm.s32 @!p0 $0x0  }
0x12: {  	s1 =	sld [smem:$0x3F99];
	s0 =	simm.s32 @p0 $0x1  }
0x13: {  	[smem:$0x3FB4] =	sst s0;
	s0 =	simm.s32 @!p1 $0x0  }
0x14: {  	s2 =	sld [smem:$0x3F98];
	s0 =	simm.s32 @p1 $0x1  }
0x15: {  	[smem:$0x3FB5] =	sst s0;
	s0 =	simm.s32 @!p2 $0x0  }
0x16: {  	s3 =	sld [smem:$0x3FDB];
	s0 =	simm.s32 @p2 $0x1  }
0x17: {  	s4 =	simm.s32 $0x1BF5;
	[smem:$0x3FB7] =	sst s0  }
0x18: {  	s0 =	sld [smem:$0x3F9A];
	_ =	swait.ge [sflag:s4], $0x0  }
0x19: {  	s7 =	sld [smem:$0x3F9B]  }
0x1a: {  	s8 =	sadd.s32 $0xFFFFE003, lr  }
0x1b: {  	s9 =	sadd.s32 $0xFFFFFEF7, lr;
	s5 =	simm.s32 $0xFFFFFFFF;
	p2 =	slt.u32 s8, $0xFFFFF086  }
0x1c: {  	p1 =	slt.u32 s9, $0xF7A;
	s5 =	simm.s32 @!p2 $0x0  }
0x1d: {  	s5 =	simm.s32 @p1 $0x1;
	p0 =	seq.s32 s7, s2  }
0x1e: {  	s7 =	smul.u32 @!p0 $0xF7A, s2;
	p2 =	seq.s32 @!p0 s5, $0x0  }
0x1f: {  	s9 =	smul.u32 $0xF7A, s1;
	s8 =	simm.s32 @!p0 $0x1BF5;
	p2 =	por !p2, p0  }
0x20: {  	[sflag:s8] =	ssyncset.s32 @!p0 $0xFFFFF086;
	s6 =	sadd.s32 @!p0 s3, s7;
	s7 =	simm.s32 @!p0 $0x108  }
0x21: {  	s3 =	sadd.s32 s3, s9;
	s6 =	sadd.s32 @!p0 $0x88, s6;
	s7 =	simm.s32 @p2 $0x1082  }
0x22: {  	[simem:s7], [sflag:s8] =	dma.local @!p0 [hbm:s6], $0xF7A  }
0x23: {  	s9 =	sor.u32 $0xD0000000, s2;
	s6 =	simm.s32 $0x108;
	_ =	swait.ge @!p0 [sflag:s8], $0x0  }
0x24: {  	s3 =	sadd.s32 $0x88, s3;
	s6 =	simm.s32 @!p1 $0x1082;
	[sflag:s4] =	ssyncset.s32 $0xFFFFF086  }
0x25: {  	[simem:s6], [sflag:s4] =	dma.local [hbm:s3], $0xF7A  }
0x26: {  	[smem:$0x3F9B] =	sst s1;
	(tag) =	ssettag s2;
	_ =	strace s9  }
0x27: {  	s1 =	sld [smem:$0x3FAB]  }
0x28: {  	s2 =	sld [smem:$0x3FAC]  }
0x29: {  	s4 =	sld [smem:$0x3FAE]  }
0x2a: {  	p0 =	seq.s32 s5, $0x0;
	s5 =	sld [smem:$0x3FAF]  }
0x2b: {  	s6 =	sld [smem:$0x3FB0]  }
0x2c: {  	s7 =	sld [smem:$0x3FB1]  }
0x2d: {  	s3 =	simm.s32 $0x108;
	s8 =	sld [smem:$0x3FB2]  }
0x2e: {  	s3 =	simm.s32 @!p0 $0x1082;
	s9 =	sld [smem:$0x3FB3]  }
0x2f: {  	lr =	sadd.s32 s0, s3;
	s0 =	sld [smem:$0x3FAA]  }
0x30: {  	s3 =	sld [smem:$0x3FAD]  }
0x31: {  	[smem:$0x3FB6] =	sst s10  }
0x32: {  	s10 =	sld [smem:$0x3FB4];
	_ =	sdelay $0x3  }
0x33: {  	p0 =	seq.s32 s10, $0x1;
	s10 =	sld [smem:$0x3FB6];
	_ =	sdelay $0x3  }
0x34: {  	[smem:$0x3FB6] =	sst s10  }
0x35: {  	s10 =	sld [smem:$0x3FB5];
	_ =	sdelay $0x3  }
0x36: {  	p1 =	seq.s32 s10, $0x1;
	s10 =	sld [smem:$0x3FB6];
	_ =	sdelay $0x3  }
0x37: {  	[smem:$0x3FB6] =	sst s10  }
0x38: {  	s10 =	sld [smem:$0x3FB7]  }
0x39: {  	_ = 	snop;
	(pc) =	sbr.ind lr, $3  }
0x3a: {  	_ = 	snop  }
0x3b: {  	_ = 	snop  }
0x3c: {  	p2 =	seq.s32 s10, $0x1;
	s10 =	sld [smem:$0x3FB6]  }
0x3d: {  	_ =	shalt  }
0x3e: {  	_ =	shalt  }
0x3f: {  	_ =	shalt  }
0x40: {  	_ =	shalt  }
0x41: {  	_ =	shalt  }
0x42: {  	_ =	shalt  }
0x43: {  	_ =	shalt  }
0x44: {  	_ =	shalt  }
0x45: {  	_ =	shalt  }
0x46: {  	_ =	shalt  }
0x47: {  	_ =	shalt  }
0x48: {  	_ =	shalt  }
0x49: {  	_ =	shalt  }
0x4a: {  	_ =	shalt  }
0x4b: {  	_ =	shalt  }
0x4c: {  	_ =	shalt  }
0x4d: {  	_ =	shalt  }
0x4e: {  	_ =	shalt  }
0x4f: {  	_ =	shalt  }
0x50: {  	_ =	shalt  }
0x51: {  	_ =	shalt  }
0x52: {  	_ =	shalt  }
0x53: {  	_ =	shalt  }
0x54: {  	_ =	shalt  }
0x55: {  	_ =	shalt  }
0x56: {  	_ =	shalt  }
0x57: {  	_ =	shalt  }
0x58: {  	_ =	shalt  }
0x59: {  	_ =	shalt  }
0x5a: {  	_ =	shalt  }
0x5b: {  	_ =	shalt  }
0x5c: {  	_ =	shalt  }
0x5d: {  	_ =	shalt  }
0x5e: {  	_ =	shalt  }
0x5f: {  	_ =	shalt  }
0x60: {  	_ =	shalt  }
0x61: {  	_ =	shalt  }
0x62: {  	_ =	shalt  }
0x63: {  	_ =	shalt  }
0x64: {  	_ =	shalt  }
0x65: {  	_ =	shalt  }
0x66: {  	_ =	shalt  }
0x67: {  	_ =	shalt  }
0x68: {  	_ =	shalt  }
0x69: {  	_ =	shalt  }
0x6a: {  	_ =	shalt  }
0x6b: {  	_ =	shalt  }
0x6c: {  	_ =	shalt  }
0x6d: {  	_ =	shalt  }
0x6e: {  	_ =	shalt  }
0x6f: {  	_ =	shalt  }
0x70: {  	_ =	shalt  }
0x71: {  	_ =	shalt  }
0x72: {  	_ =	shalt  }
0x73: {  	_ =	shalt  }
0x74: {  	_ =	shalt  }
0x75: {  	_ =	shalt  }
0x76: {  	_ =	shalt  }
0x77: {  	_ =	shalt  }
0x78: {  	_ =	shalt  }
0x79: {  	_ =	shalt  }
0x7a: {  	_ =	shalt  }
0x7b: {  	_ =	shalt  }
0x7c: {  	_ =	shalt  }
0x7d: {  	_ =	shalt  }
0x7e: {  	_ =	shalt  }
0x7f: {  	_ =	shalt  }
0x80: {  	_ =	shalt  }
0x81: {  	_ =	shalt  }
0x82: {  	_ =	shalt  }
0x83: {  	_ =	shalt  }
0x84: {  	_ =	shalt  }
0x85: {  	_ =	shalt  }
0x86: {  	_ =	shalt  }
0x87: {  	_ =	shalt  }
.Lfunc_end0:
.L_simem_size_0:
called_computation.1_lowered:
.L_overlay_start_0:
0x88: {  	s2 =	sld [smem:$0x3FD9]  }
0x89: {  	s3 =	sld [smem:$0x3FFE];
	_ =	sdelay $0x1  }
0x8a: {  	s1 =	srdreg.scid  }
0x8b: {  	s0 =	sand.u32 $0x1, s1  }
0x8c: {  	s17 =	sshll.u32 s0, $0xA;
	s2 =	sadd.s32 s3, s2  }
0x8d: {  	s2 =	sadd.s32 s2, s17  }
0x8e: {  	[smem:$0x3FC2] =	sst s2  }
0x8f: {  	_ = 	snop  }
0x90: {  	s2 =	sld [smem:$0x3FD0];
	(tm) =	ssettm $0x1  }
0x91: {  	s18 =	sld [smem:$0x3FFB];
	_ =	sdelay $0x3  }
0x92: {  	_ =	strace s18  }
0x93: {  	s3 =	sld [smem:$0x3FFC];
	_ =	sdelay $0x3  }
0x94: {  	_ =	strace s3  }
0x95: {  	s3 =	sld [smem:$0x3FFD];
	_ =	sdelay $0x3  }
0x96: {  	_ =	strace s3  }
0x97: {  	_ =	strace $0x8FFFFFFF  }
0x98: {  	s19 =	sld [smem:$0x3FDB];
	_ =	sdelay $0x1  }
0x99: {  	s4 =	simm.s32 $_scs_section_size  }
0x9a: {  	s5 =	simm.s32 $_size__tile_overlayer_lowered;
	s6 =	simm.s32 $_tile_overlayer_lowered  }
0x9b: {  	s22 =	simm.s32 $0x1BFF;
	s21 =	sshll.u32 s6, $0x1;
	s3 =	sadd.s32 s4, s19  }
0x9c: {  	s7 =	simm.s32 $0x0;
	s20 =	sshll.u32 s5, $0x1;
	s5 =	sadd.s32 s21, s3  }
0x9d: {  	[timem:s7], [sflag:s22] =	dma.local [hbm:s5], s20  }
0x9e: {  	_ =	swait.ge [sflag:s22], s20  }
0x9f: {  	s4 =	ssub.s32 $0x0, s20;
	[sflag:s22] =	ssyncset.done $0x0  }
0xa0: {  	[sflag:s22] =	ssyncadd.s32 s4;
	_ =	sdelay $0x1  }
0xa1: {  	s23 =	simm.s32 $0x1B8B  }
0xa2: {  	_ =	swait.ge [sflag:s23], $0x1  }
0xa3: {  	[sflag:s23] =	ssyncset.done $0x0  }
0xa4: {  	s25 =	simm.s32 $0x1B8E;
	s24 =	sld [smem:$0x3FFE];
	[sflag:s23] =	ssyncadd.s32 $0xFFFFFFFF  }
0xa5: {  	s26 =	simm.s32 $execute0_lowered;
	[smem:$0x3FD2] =	sst s25  }
0xa6: {  	s5 =	sshll.u32 s26, $0x1;
	_ =	strace $0x80000049;
	[dreg:$0x1] =	wrdreg $0xFFFFFFFF  }
0xa7: {  	s28 =	simm.s32 $_size_execute0_lowered;
	s3 =	sadd.s32 s3, s5;
	[dreg:$0x0] =	wrdreg $0x0  }
0xa8: {  	s5 =	sshll.u32 s28, $0x1;
	[dreg:$0x2] =	wrdreg s3  }
0xa9: {  	[dreg:$0x3] =	wrdreg s5  }
0xaa: {  	[dreg:$0x4] =	wrdreg $0xC0  }
0xab: {  	_ =	task [dreg:s7], $0x5FFFF  }
0xac: {  	[dreg:$0x1] =	wrdreg $0xFFFFFFFF  }
0xad: {  	[dreg:$0x0] =	wrdreg $0x60  }
0xae: {  	[dreg:$0x2] =	wrdreg s24  }
0xaf: {  	[dreg:$0x3] =	wrdreg s2  }
0xb0: {  	[dreg:$0x4] =	wrdreg $0xA8000  }
0xb1: {  	[dreg:$0x5] =	wrdreg $0x9  }
0xb2: {  	_ =	task.clear_ibuf [dreg:s7], $0x6FFFF;
	_ =	strace $0x90000049  }
0xb3: {  	s29 =	simm.s32 $0x9;
	_ =	strace $0x8000004B  }
0xb4: {  	_ =	swait.ge [sflag:s29], $0x1  }
0xb5: {  	[sflag:s29] =	ssyncadd.s32 $0xFFFFFFFF  }
0xb6: {  	_ =	strace $0x9000004B  }
0xb7: {  	_ =	sfence  }
0xb8: {  	s30 =	sld [smem:$0x0];
	_ =	sdelay $0x2  }
0xb9: {  	s31 =	sshll.u32 s1, $0xD;
	s1 =	sshrl.u32 s1, $0x2  }
0xba: {  	s3 =	sand.u32 $0x4000, s31;
	s1 =	sadd.s32 s1, s30  }
0xbb: {  	s0 =	sor.u32 s3, s0;
	s1 =	sshll.u32 s1, $0x11  }
0xbc: {  	s0 =	sor.u32 s1, s0  }
0xbd: {  	s0 =	sadd.s32 $0x8F2B, s0  }
0xbe: {  	[sflag:s0] =	ssyncadd.remote.s32 $0x1  }
0xbf: {  	_ =	sfence.sel $0xFFFF  }
0xc0: {  	[dreg:$0x0] =	wrdreg $0xFFFFFFFF;
	(pc) =	sbr.abs _section_cstart, $3  }
0xc1: {  	[dreg:$0x1] =	wrdreg $0xFFFFFFFF  }
0xc2: {  	_ =	task.clear_ibuf [dreg:s7], $0x2FFFF;
	_ =	strace $0x9FFFFFFF  }
0xc3: {  	(tm) =	ssettm $0x7FFFFFFF  }
tec
execute0_lowered:
.L_overlay_start_1:
0x0: {  	(tag) =	ssettag $0x1  }
0x1: {  	s0 =	rddreg [dreg:$0x0]  }
0x2: {  	s1 =	rddreg [dreg:$0x1]  }
0x3: {  	s2 =	rddreg [dreg:$0x2]  }
0x4: {  	s3 =	srdreg.scid;
	s31 =	stileid.u32  }
0x5: {  	s4 =	simm.s32 $0x0;
	s28 =	simm.s32 $0x800;
	s6 =	smul.u32 $0x14000, s31  }
0x6: {  	s29 =	simm.s32 $0x0;
	s10 =	sand.u32 $0x1, s3;
	s8 =	smul.u32 $0x50000, s31  }
0x7: {  	[smem:$0x7FF] =	sst s4;
	s7 =	sshll.u32 s31, $0x1;
	s25 =	smul.u32 $0x14, s31  }
0x8: {  	s12 =	sadd.s32 $0x2400, s0;
	s5 =	smul.u32 $0x140000, s10;
	_ =	strace $0x8000004A  }
0x9: {  	s11 =	sor.u32 s10, s7;
	s14 =	ssub.s32 $0x2, s10;
	s30 =	smul.u32 $0xA, s10  }
0xa: {  	p0 =	sne.s32 s10, $0x0;
	s13 =	smul.u32 $0x50, s11;
	s8 =	sshrl.u32 s8, $0x2  }
0xb: {  	s15 =	sshrl.u32 s14, $0x1;
	s5 =	sadd.s32 s6, s5;
	s8 =	sadd.s32 s8, s2  }
0xc: {  	s5 =	sshrl.u32 s5, $0x3;
	s6 =	sshrl.u32 s13, $0x3;
	s17 =	sadd.s32 $0x2800, s8  }
0xd: {  	s13 =	ssub.s32 s14, s15;
	s18 =	sadd.s32 $0x5000, s8;
	[dreg:$0x7] =	wrdreg s17  }
0xe: {  	s19 =	sadd.s32 $0x7800, s8;
	s20 =	sadd.s32 $0xA000, s8;
	[dreg:$0x8] =	wrdreg s18  }
0xf: {  	s14 =	smul.u32 $0x2800, s31;
	s21 =	sadd.s32 $0xC800, s8;
	[dreg:$0x9] =	wrdreg s19  }
0x10: {  	s22 =	sadd.s32 $0xF000, s8;
	s15 =	smul.u32 $0xA0, s31;
	[dreg:$0xa] =	wrdreg s20  }
0x11: {  	s23 =	sadd.s32 $0x11800, s8;
	s31 =	sadd.s32 s25, s12;
	[dreg:$0xb] =	wrdreg s21  }
0x12: {  	s0 =	sadd.s32 s5, s0;
	s5 =	sadd.s32 s12, s6;
	[dreg:$0xc] =	wrdreg s22  }
0x13: {  	[dreg:$0xd] =	wrdreg s23;
	s17 =	smul.u32 $0x50, s10;
	s18 =	ssub.s32 $0xFA0, s11  }
0x14: {  	s20 =	smax.u32 s13, $0x1;
	s6 =	sadd.s32 $0x9C40, s5;
	s16 =	sadd.s32 $0x140, s5  }
0x15: {  	s9 =	sadd.s32 $0x9D80, s5;
	s24 =	sadd.s32 s1, s14;
	[dreg:$0x5] =	wrdreg s6  }
0x16: {  	s19 =	sadd.s32 $0x15E00, s0;
	[dreg:$0x6] =	wrdreg s16;
	s26 =	sadd.s32 s17, s15  }
0x17: {  	s16 =	ssub.s32 $0x1020, s11;
	[dreg:$0xe] =	wrdreg s24;
	s11 =	sadd.s32 $0x4F600, s26  }
0x18: {  	s0 =	sadd.s32 s30, s31;
	[dreg:$0x4] =	wrdreg s16;
	s11 =	sshrl.u32 s11, $0x3  }
0x19: {  	v0 =	vimm.f32 $0.0e+00;
	s16 =	sadd.s32 $0x280, s0;
	s26 =	simm.s32 $0x4;
	s15 =	sadd.s32 s11, s12  }
.LBB2_1:
0x1a: {  	[tilespmem:s4], [sflag:$0x1] =	stream.linear.gather [hbm4b:s5+s4], $0x50, $0x38;
	[tilespmem:$0x1E800] =	vst v63  }
0x1b: {  	s0 =	rddreg [dreg:$0x5];
	s3 =	simm.s32 $0x400  }
0x1c: {  	[tilespmem:s3], [sflag:$0x1] =	stream.linear.gather [hbm4b:s0+s4], $0x50, $0x38;
	[tilespmem:$0x1E800] =	vst v63  }
.Ltmp0:
0x1d: {  	s25 =	stileid.u32;
	(pc) =	sbr.rel @p0 .LBB2_3-.Ltmp0, $4  }
0x1e: {  	s22 =	rddreg [dreg:$0x6];
	s23 =	simm.s32 $0x80;
	s0 =	sshll.u32 s25, $0x6  }
0x1f: {  	[tilespmem:s23], [sflag:$0x1] =	stream.linear.gather [hbm4b:s22+s4], $0x50, $0x38;
	[tilespmem:$0x1E800] =	vst v63  }
0x20: {  	s24 =	simm.s32 $0x480;
	s30 =	sshrl.u32 s8, $0x3;
	s31 =	sor.u32 $0x1C04, s0  }
0x21: {  	[tilespmem:s24], [sflag:$0x1] =	stream.linear.gather [hbm4b:s9+s4], $0x50, $0x38;
	[tilespmem:$0x1E800] =	vst v63  }
.Ltmp1:
0x22: {  	(pc) =	sbr.rel .LBB2_6-.Ltmp1, $3  }
0x23: {  	_ =	sdelay $0x1  }
0x24: {  	s0 =	rddreg [dreg:$0xe]  }
0x25: {  	[spmem:s30], [sflag:s31] =	dma.local [hbm:s0], $0x2800  }
.LBB2_3:
0x26: {  	s0 =	sand.u32 $0xFE00, s4  }
0x27: {  	s10 =	sand.u32 $0x70, s4;
	s11 =	sshrl.u32 s0, $0x2  }
0x28: {  	s0 =	simm.s32 $0x40;
	s11 =	sor.u32 s10, s11;
	s10 =	simm.s32 $0x0  }
.LBB2_4:
0x29: {  	p1 =	sne.s32 s0, $0x9FC0  }
0x2a: {  	[tilespmem:s11+$0x800] =	vst v0;
	s10 =	sadd.s32 $0x10, s10;
	s11 =	smov.u32 s0;
	s0 =	sadd.s32 $0x40, s0  }
.Ltmp2:
0x2b: {  	(pc) =	sbr.rel @p1 .LBB2_4-.Ltmp2, $4  }
0x2c: {  	_ = 	snop  }
0x2d: {  	s11 =	sand.u32 $0xFE00, s11  }
0x2e: {  	s12 =	sand.u32 $0x70, s10;
	s11 =	sshrl.u32 s11, $0x2  }
0x2f: {  	s11 =	sor.u32 s12, s11  }
0x30: {  	[tilespmem:s11+$0x800] =	vst v0  }
0x31: {  	[spmem:s8] =	stream.linear.scatter [tilespmem:s28], [sflag:$0x4], $0x2800, $0x38;
	[tilespmem:$0x1E800] =	vst v63  }
0x32: {  	_ =	swait.ge [sflag:s26], $0x2800  }
0x33: {  	[sflag:s26] =	ssyncset.done $0x0  }
0x34: {  	s0 =	rddreg [dreg:$0x7];
	[sflag:s26] =	ssyncadd.s32 $0xFFFFD800  }
0x35: {  	[spmem:s0] =	stream.linear.scatter [tilespmem:s28], [sflag:$0x4], $0x2800, $0x38;
	[tilespmem:$0x1E800] =	vst v63  }
0x36: {  	_ =	swait.ge [sflag:s26], $0x2800  }
0x37: {  	[sflag:s26] =	ssyncset.done $0x0  }
0x38: {  	s17 =	rddreg [dreg:$0x8];
	[sflag:s26] =	ssyncadd.s32 $0xFFFFD800  }
0x39: {  	[spmem:s17] =	stream.linear.scatter [tilespmem:s28], [sflag:$0x4], $0x2800, $0x38;
	[tilespmem:$0x1E800] =	vst v63  }
0x3a: {  	_ =	swait.ge [sflag:s26], $0x2800  }
0x3b: {  	[sflag:s26] =	ssyncset.done $0x0  }
0x3c: {  	s21 =	rddreg [dreg:$0x9];
	[sflag:s26] =	ssyncadd.s32 $0xFFFFD800  }
0x3d: {  	[spmem:s21] =	stream.linear.scatter [tilespmem:s28], [sflag:$0x4], $0x2800, $0x38;
	[tilespmem:$0x1E800] =	vst v63  }
0x3e: {  	_ =	swait.ge [sflag:s26], $0x2800  }
0x3f: {  	[sflag:s26] =	ssyncset.done $0x0  }
0x40: {  	s22 =	rddreg [dreg:$0xa];
	[sflag:s26] =	ssyncadd.s32 $0xFFFFD800  }
0x41: {  	[spmem:s22] =	stream.linear.scatter [tilespmem:s28], [sflag:$0x4], $0x2800, $0x38;
	[tilespmem:$0x1E800] =	vst v63  }
0x42: {  	_ =	swait.ge [sflag:s26], $0x2800  }
0x43: {  	[sflag:s26] =	ssyncset.done $0x0  }
0x44: {  	s23 =	rddreg [dreg:$0xb];
	[sflag:s26] =	ssyncadd.s32 $0xFFFFD800  }
0x45: {  	[spmem:s23] =	stream.linear.scatter [tilespmem:s28], [sflag:$0x4], $0x2800, $0x38;
	[tilespmem:$0x1E800] =	vst v63  }
0x46: {  	_ =	swait.ge [sflag:s26], $0x2800  }
0x47: {  	[sflag:s26] =	ssyncset.done $0x0  }
0x48: {  	s24 =	rddreg [dreg:$0xc];
	[sflag:s26] =	ssyncadd.s32 $0xFFFFD800  }
0x49: {  	[spmem:s24] =	stream.linear.scatter [tilespmem:s28], [sflag:$0x4], $0x2800, $0x38;
	[tilespmem:$0x1E800] =	vst v63  }
0x4a: {  	_ =	swait.ge [sflag:s26], $0x2800  }
0x4b: {  	[sflag:s26] =	ssyncset.done $0x0  }
0x4c: {  	s25 =	rddreg [dreg:$0xd];
	[sflag:s26] =	ssyncadd.s32 $0xFFFFD800  }
0x4d: {  	[spmem:s25] =	stream.linear.scatter [tilespmem:s28], [sflag:$0x4], $0x2800, $0x38;
	[tilespmem:$0x1E800] =	vst v63  }
.LBB2_6:
0x4e: {  	_ =	swait.ge [sflag:s26], $0x2800  }
0x4f: {  	[sflag:s26] =	ssyncset.done $0x0  }
0x50: {  	[sflag:s26] =	ssyncadd.s32 $0xFFFFD800  }
0x51: {  	[bflag:$0x0] =	sbarrier.arrive $0xFFFF  }
0x52: {  	p1 =	por $0x1, $0x1;
	s0 =	rddreg [dreg:$0x4]  }
0x53: {  	p2 =	sle.u32 @!p1 s0, $0x0  }
0x54: {  	s14 =	simm.s32 $0x100;
	s12 =	simm.s32 $0x0;
	p2 =	por p2, p1  }
0x55: {  	s10 =	simm.s32 $0x180;
	s13 =	simm.s32 $0x200;
	s17 =	simm.s32 @!p2 $0x3  }
0x56: {  	s11 =	simm.s32 $0x20;
	s22 =	simm.s32 $0xFFFFFFFE;
	_ =	swait.ge @!p2 [sflag:s17], $0x2800  }
0x57: {  	s0 =	sadd.s32 $0x140, s15;
	p1 =	por $0x0, $0x0;
	[sflag:s17] =	ssyncset.done @!p2 $0x0  }
0x58: {  	s21 =	simm.s32 @!p1 $0x1;
	s12 =	sand.u32 @!p1 $0x3, s12;
	[sflag:s17] =	ssyncadd.s32 @!p2 $0xFFFFD800  }
0x59: {  	s23 =	simm.s32 @!p1 $0x50;
	s12 =	smul.u32 @!p1 $0xA000, s12;
	_ =	swait.ge @!p1 [sflag:s21], $0x50  }
0x5a: {  	s17 =	simm.s32 @!p1 $0x0;
	p2 =	por $0x1, $0x1;
	[sflag:s21] =	ssyncset.done @!p1 $0x0  }
0x5b: {  	s12 =	sshrl.u32 @!p1 s12, $0x2;
	p3 =	sle.s32 @!p2 s18, $0xFFFFFFC0;
	[sflag:s21] =	ssyncadd.s32 @!p1 $0xFFFFFFB0  }
0x5c: {  	s17 =	sand.u32 @!p1 $0x380, s17;
	p3 =	por p3, p2;
	_ =	swait.ge @!p1 [sflag:s21], $0x50  }
0x5d: {  	s12 =	sadd.s32 @!p1 $0x800, s12;
	s22 =	sand.u32 @!p3 $0x3, s22;
	[sflag:s21] =	ssyncset.done @!p1 $0x0  }
0x5e: {  	[sflag:s21] =	ssyncadd.s32 @!p1 $0xFFFFFFB0;
	s21 =	smul.u32 @!p3 $0xA000, s22;
	s22 =	simm.s32 @!p3 $0xFFFFFF00  }
0x5f: {  	[tilespmem:s12], [sflag:$0x2] =	stream.indirect.gather @!p1 [hbm4b:s1+s23], $0x80, s17, s23, $0xb8;
	[tilespmem:$0x1E800] =	vst v63  }
0x60: {  	p2 =	por $0x0, $0x0;
	s24 =	simm.s32 @!p3 $0x2;
	s12 =	sand.u32 @!p3 $0x380, s22  }
0x61: {  	s17 =	simm.s32 @!p3 $0x50;
	s23 =	simm.s32 @!p2 $0x0;
	_ =	swait.ge @!p3 [sflag:s24], $0x2800  }
0x62: {  	s22 =	smov.u32 s15;
	s21 =	sshrl.u32 @!p3 s21, $0x2;
	[sflag:s24] =	ssyncset.done @!p3 $0x0  }
0x63: {  	s12 =	sor.u32 @!p3 $0x400, s12;
	s21 =	sadd.s32 @!p3 $0x800, s21;
	[sflag:s24] =	ssyncadd.s32 @!p3 $0xFFFFD800  }
0x64: {  	[spmem:s2] =	stream.indirect.scatter.add.f32 @!p3 [tilespmem:s21], [sflag:$0x3], $0x80, s12, s17, $0xb8;
	[tilespmem:$0x1E800] =	vst v63  }
0x65: {  	s25 =	rddreg [dreg:$0x4];
	s12 =	sadd.s32 $0x140, s16;
	s17 =	sand.u32 @!p2 $0x380, s14  }
0x66: {  	s14 =	simm.s32 $0x1;
	s21 =	smov.u32 s16;
	s24 =	sor.u32 @!p2 $0x400, s17  }
.LBB2_7:
0x67: {  	[tilespmem:s17], [sflag:$0x1] =	stream.linear.gather @!p2 [hbm4b:s21+s23], $0x50, $0x38;
	[tilespmem:$0x1E800] =	vst v63  }
0x68: {  	s17 =	smov.u32 s10;
	s10 =	smov.u32 s13;
	s3 =	smov.u32 s22  }
0x69: {  	s13 =	sadd.s32 $0x80, s13;
	p3 =	slt.u32 s14, $0x4;
	s22 =	smov.u32 s0  }
0x6a: {  	s7 =	smov.u32 s11;
	s21 =	smov.u32 s12;
	p4 =	sge.u32 @!p3 s11, s25  }
0x6b: {  	s0 =	sadd.s32 $0x140, s0;
	s12 =	sadd.s32 $0x140, s12;
	p3 =	por p4, p3  }
0x6c: {  	[tilespmem:s24], [sflag:$0x1] =	stream.linear.gather @!p2 [hbm4b:s3+s23], $0x50, $0x38;
	[tilespmem:$0x1E800] =	vst v63  }
0x6d: {  	p1 =	sne.s32 s13, $0x4280;
	p2 =	sgt.u32 s14, $0x7C;
	s6 =	simm.s32 @!p3 $0x3  }
0x6e: {  	s11 =	sadd.s32 $0x20, s11;
	s24 =	sand.u32 @!p2 $0x3, s14;
	_ =	swait.ge @!p3 [sflag:s6], $0x2800  }
0x6f: {  	s25 =	sadd.s32 $0xFFFFFFC0, s7;
	s24 =	smul.u32 @!p2 $0xA000, s24;
	[sflag:s6] =	ssyncset.done @!p3 $0x0  }
0x70: {  	s3 =	sadd.s32 $0xFFFFFFFE, s14;
	s23 =	simm.s32 @!p2 $0x1;
	[sflag:s6] =	ssyncadd.s32 @!p3 $0xFFFFD800  }
0x71: {  	s6 =	sadd.s32 @!p2 $0xFFFFFF00, s17;
	s24 =	sshrl.u32 @!p2 s24, $0x2;
	_ =	swait.ge @!p2 [sflag:s23], $0x50  }
0x72: {  	p3 =	slt.u32 s14, $0x2;
	s6 =	sand.u32 @!p2 $0x380, s6;
	[sflag:s23] =	ssyncset.done @!p2 $0x0  }
0x73: {  	s24 =	sadd.s32 @!p2 $0x800, s24;
	p4 =	sge.s32 @!p3 s25, s18;
	[sflag:s23] =	ssyncadd.s32 @!p2 $0xFFFFFFB0  }
0x74: {  	s25 =	simm.s32 @!p2 $0x50;
	p3 =	por p4, p3;
	_ =	swait.ge @!p2 [sflag:s23], $0x50  }
0x75: {  	s7 =	simm.s32 @!p3 $0x2;
	s3 =	sand.u32 @!p3 $0x3, s3;
	[sflag:s23] =	ssyncset.done @!p2 $0x0  }
0x76: {  	s3 =	smul.u32 @!p3 $0xA000, s3;
	[sflag:s23] =	ssyncadd.s32 @!p2 $0xFFFFFFB0;
	s23 =	sadd.s32 @!p3 $0xFFFFFE00, s17  }
0x77: {  	[tilespmem:s24], [sflag:$0x2] =	stream.indirect.gather @!p2 [hbm4b:s1+s25], $0x80, s6, s25, $0xb8;
	[tilespmem:$0x1E800] =	vst v63  }
0x78: {  	s3 =	sshrl.u32 @!p3 s3, $0x2;
	s6 =	sand.u32 @!p3 $0x380, s23;
	s24 =	simm.s32 @!p3 $0x50  }
.Ltmp3:
0x79: {  	s3 =	sadd.s32 @!p3 $0x800, s3;
	_ =	swait.ge @!p3 [sflag:s7], $0x2800;
	(pc) =	sbr.rel @p1 .LBB2_7-.Ltmp3, $4  }
0x7a: {  	p2 =	sgt.u32 s14, $0x7A;
	s14 =	sadd.s32 $0x1, s14;
	[sflag:s7] =	ssyncset.done @!p3 $0x0  }
0x7b: {  	s6 =	sor.u32 @!p3 $0x400, s6;
	s17 =	sand.u32 @!p2 $0x380, s17;
	[sflag:s7] =	ssyncadd.s32 @!p3 $0xFFFFD800  }
0x7c: {  	[spmem:s2] =	stream.indirect.scatter.add.f32 @!p3 [tilespmem:s3], [sflag:$0x3], $0x80, s6, s24, $0xb8;
	[tilespmem:$0x1E800] =	vst v63  }
0x7d: {  	s23 =	simm.s32 @!p2 $0x0;
	s25 =	rddreg [dreg:$0x4];
	s24 =	sor.u32 @!p2 $0x400, s17  }
0x7e: {  	[tilespmem:s17], [sflag:$0x1] =	stream.linear.gather @!p2 [hbm4b:s21+s23], $0x50, $0x38;
	[tilespmem:$0x1E800] =	vst v63  }
0x7f: {  	p1 =	slt.u32 s14, $0x4  }
0x80: {  	p3 =	sge.u32 @!p1 s11, s25  }
0x81: {  	p3 =	por p3, p1  }
0x82: {  	[tilespmem:s24], [sflag:$0x1] =	stream.linear.gather @!p2 [hbm4b:s22+s23], $0x50, $0x38;
	[tilespmem:$0x1E800] =	vst v63  }
0x83: {  	s3 =	simm.s32 @!p3 $0x3  }
0x84: {  	s6 =	sadd.s32 $0xFFFFFFFE, s14;
	s11 =	sadd.s32 $0xFFFFFFC0, s11;
	_ =	swait.ge @!p3 [sflag:s3], $0x2800  }
0x85: {  	p1 =	sgt.u32 s14, $0x7C;
	p2 =	slt.u32 s14, $0x2;
	[sflag:s3] =	ssyncset.done @!p3 $0x0  }
0x86: {  	s7 =	simm.s32 @!p1 $0x1;
	s13 =	sand.u32 @!p1 $0x3, s14;
	[sflag:s3] =	ssyncadd.s32 @!p3 $0xFFFFD800  }
0x87: {  	s13 =	smul.u32 @!p1 $0xA000, s13;
	p3 =	sge.s32 @!p2 s11, s18;
	_ =	swait.ge @!p1 [sflag:s7], $0x50  }
0x88: {  	s3 =	sadd.s32 @!p1 $0xFFFFFF00, s10;
	p2 =	por p3, p2;
	[sflag:s7] =	ssyncset.done @!p1 $0x0  }
0x89: {  	s13 =	sshrl.u32 @!p1 s13, $0x2;
	s6 =	sand.u32 @!p2 $0x3, s6;
	[sflag:s7] =	ssyncadd.s32 @!p1 $0xFFFFFFB0  }
0x8a: {  	s11 =	simm.s32 @!p1 $0x50;
	s6 =	smul.u32 @!p2 $0xA000, s6;
	_ =	swait.ge @!p1 [sflag:s7], $0x50  }
0x8b: {  	s3 =	sand.u32 @!p1 $0x380, s3;
	s13 =	sadd.s32 @!p1 $0x800, s13;
	[sflag:s7] =	ssyncset.done @!p1 $0x0  }
0x8c: {  	s17 =	simm.s32 @!p2 $0x2;
	s6 =	sshrl.u32 @!p2 s6, $0x2;
	[sflag:s7] =	ssyncadd.s32 @!p1 $0xFFFFFFB0  }
0x8d: {  	[tilespmem:s13], [sflag:$0x2] =	stream.indirect.gather @!p1 [hbm4b:s1+s11], $0x80, s3, s11, $0xb8;
	[tilespmem:$0x1E800] =	vst v63  }
0x8e: {  	s7 =	sadd.s32 @!p2 $0xFFFFFE00, s10;
	s6 =	sadd.s32 @!p2 $0x800, s6;
	_ =	swait.ge @!p2 [sflag:s17], $0x2800  }
0x8f: {  	s3 =	sand.u32 @!p2 $0x380, s7;
	s7 =	simm.s32 @!p2 $0x50;
	[sflag:s17] =	ssyncset.done @!p2 $0x0  }
0x90: {  	p1 =	sgt.u32 s14, $0x7A;
	s3 =	sor.u32 @!p2 $0x400, s3;
	[sflag:s17] =	ssyncadd.s32 @!p2 $0xFFFFD800  }
0x91: {  	[spmem:s2] =	stream.indirect.scatter.add.f32 @!p2 [tilespmem:s6], [sflag:$0x3], $0x80, s3, s7, $0xb8;
	[tilespmem:$0x1E800] =	vst v63  }
0x92: {  	s3 =	sand.u32 @!p1 $0x380, s10;
	s6 =	simm.s32 @!p1 $0x0  }
0x93: {  	[tilespmem:s3], [sflag:$0x1] =	stream.linear.gather @!p1 [hbm4b:s12+s6], $0x50, $0x38;
	[tilespmem:$0x1E800] =	vst v63  }
0x94: {  	s29 =	sadd.s32 $0x1, s29;
	s3 =	sor.u32 @!p1 $0x400, s3  }
0x95: {  	[tilespmem:s3], [sflag:$0x1] =	stream.linear.gather @!p1 [hbm4b:s0+s6], $0x50, $0x38;
	[tilespmem:$0x1E800] =	vst v63  }
0x96: {  	p1 =	sne.s32 s29, s20  }
.Ltmp4:
0x97: {  	[bflag:$0x0] =	sbarrier.arrive $0xFFFF;
	(pc) =	sbr.rel @p1 .LBB2_1-.Ltmp4, $4  }
0x98: {  	[hbm:s19], [sflag:s31] =	dma.local [spmem:s30], $0x2800  }
0x99: {  	_ =	swait.ge [sflag:s26], $0x2800  }
0x9a: {  	[sflag:s26] =	ssyncset.done $0x0  }
0x9b: {  	[sflag:s26] =	ssyncadd.s32 $0xFFFFD800  }
0x9c: {  	_ =	sfence.sel $0x180000  }
0x9d: {  	[bflag:$0x0] =	sbarrier.arrive $0xFFFF  }
0x9e: {  	_ =	strace $0x9000004A  }
0x9f: {  	s0 =	stileid.u32;
	[bflag:$0x2] =	sbarrier.arrive $0xFFFF  }
0xa0: {  	p0 =	sne.s32 s0, $0x0;
	s0 =	rddreg [dreg:$0x3]  }
0xa1: {  	s0 =	sadd.s32 @!p0 $0x100000, s0  }
0xa2: {  	[sflag:s0] =	ssyncadd.tile.s32 @!p0 $0x1;
	_ =	shalt  }
.Lfunc_end2:
_tile_overlayer_lowered:
.L_overlay_start_2:
0xa3: {  	(tag) =	ssettag $0x2  }
0xa4: {  	s0 =	rddreg [dreg:$0x0];
	s2 =	stileid.u32  }
0xa5: {  	s1 =	rddreg [dreg:$0x1];
	p0 =	sne.s32 s2, $0x0  }
0xa6: {  	s3 =	rddreg [dreg:$0x2];
	[bflag:$0x3] =	sbarrier.arrive $0xFFFF;
	s2 =	simm.s32 @!p0 $0x1C04  }
0xa7: {  	[timem:s3], [sflag:s2] =	dma.local @!p0 [hbm:s0], s1  }
0xa8: {  	s0 =	simm.s32 @!p0 $0x4  }
0xa9: {  	_ =	swait.ge @!p0 [sflag:s0], s1  }
0xaa: {  	s1 =	ssub.s32 @!p0 $0x0, s1;
	[sflag:s0] =	ssyncset.done @!p0 $0x0  }
0xab: {  	[sflag:s0] =	ssyncadd.s32 @!p0 s1  }
0xac: {  	[bflag:$0x3] =	sbarrier.arrive $0xFFFF  }
0xad: {  	_ =	shalt  }

// kernel: kernel.7.cloned.1.call-start
scs
__scs_entry_jumppad:
0x0: {  	(pc) =	sbr.rel $0x88, $3  }
0x1: {  	(tag) =	ssettag $0x0;
	lr =	simm.s32 $0x1  }
0x2: {  	[smem:$0x3F9B] =	sst lr;
	_ =	strace $0xD0000000  }
0x3: {  	_ = 	snop  }
0x4: {  	_ = 	snop  }
0x5: {  	_ = 	snop  }
0x6: {  	_ = 	snop  }
0x7: {  	_ = 	snop  }
__scs_overlays_trampoline_lowered:
0x8: {  	[smem:$0x3FAA] =	sst s0  }
0x9: {  	[smem:$0x3FAB] =	sst s1  }
0xa: {  	[smem:$0x3FAC] =	sst s2  }
0xb: {  	[smem:$0x3FAD] =	sst s3  }
0xc: {  	[smem:$0x3FAE] =	sst s4  }
0xd: {  	[smem:$0x3FAF] =	sst s5  }
0xe: {  	[smem:$0x3FB0] =	sst s6  }
0xf: {  	[smem:$0x3FB1] =	sst s7  }
0x10: {  	[smem:$0x3FB2] =	sst s8  }
0x11: {  	[smem:$0x3FB3] =	sst s9;
	s0 =	simm.s32 @!p0 $0x0  }
0x12: {  	s1 =	sld [smem:$0x3F99];
	s0 =	simm.s32 @p0 $0x1  }
0x13: {  	[smem:$0x3FB4] =	sst s0;
	s0 =	simm.s32 @!p1 $0x0  }
0x14: {  	s2 =	sld [smem:$0x3F98];
	s0 =	simm.s32 @p1 $0x1  }
0x15: {  	[smem:$0x3FB5] =	sst s0;
	s0 =	simm.s32 @!p2 $0x0  }
0x16: {  	s3 =	sld [smem:$0x3FDB];
	s0 =	simm.s32 @p2 $0x1  }
0x17: {  	s4 =	simm.s32 $0x1BF5;
	[smem:$0x3FB7] =	sst s0  }
0x18: {  	s0 =	sld [smem:$0x3F9A];
	_ =	swait.ge [sflag:s4], $0x0  }
0x19: {  	s7 =	sld [smem:$0x3F9B]  }
0x1a: {  	s8 =	sadd.s32 $0xFFFFE003, lr  }
0x1b: {  	s9 =	sadd.s32 $0xFFFFFEF7, lr;
	s5 =	simm.s32 $0xFFFFFFFF;
	p2 =	slt.u32 s8, $0xFFFFF086  }
0x1c: {  	p1 =	slt.u32 s9, $0xF7A;
	s5 =	simm.s32 @!p2 $0x0  }
0x1d: {  	s5 =	simm.s32 @p1 $0x1;
	p0 =	seq.s32 s7, s2  }
0x1e: {  	s7 =	smul.u32 @!p0 $0xF7A, s2;
	p2 =	seq.s32 @!p0 s5, $0x0  }
0x1f: {  	s9 =	smul.u32 $0xF7A, s1;
	s8 =	simm.s32 @!p0 $0x1BF5;
	p2 =	por !p2, p0  }
0x20: {  	[sflag:s8] =	ssyncset.s32 @!p0 $0xFFFFF086;
	s6 =	sadd.s32 @!p0 s3, s7;
	s7 =	simm.s32 @!p0 $0x108  }
0x21: {  	s3 =	sadd.s32 s3, s9;
	s6 =	sadd.s32 @!p0 $0x88, s6;
	s7 =	simm.s32 @p2 $0x1082  }
0x22: {  	[simem:s7], [sflag:s8] =	dma.local @!p0 [hbm:s6], $0xF7A  }
0x23: {  	s9 =	sor.u32 $0xD0000000, s2;
	s6 =	simm.s32 $0x108;
	_ =	swait.ge @!p0 [sflag:s8], $0x0  }
0x24: {  	s3 =	sadd.s32 $0x88, s3;
	s6 =	simm.s32 @!p1 $0x1082;
	[sflag:s4] =	ssyncset.s32 $0xFFFFF086  }
0x25: {  	[simem:s6], [sflag:s4] =	dma.local [hbm:s3], $0xF7A  }
0x26: {  	[smem:$0x3F9B] =	sst s1;
	(tag) =	ssettag s2;
	_ =	strace s9  }
0x27: {  	s1 =	sld [smem:$0x3FAB]  }
0x28: {  	s2 =	sld [smem:$0x3FAC]  }
0x29: {  	s4 =	sld [smem:$0x3FAE]  }
0x2a: {  	p0 =	seq.s32 s5, $0x0;
	s5 =	sld [smem:$0x3FAF]  }
0x2b: {  	s6 =	sld [smem:$0x3FB0]  }
0x2c: {  	s7 =	sld [smem:$0x3FB1]  }
0x2d: {  	s3 =	simm.s32 $0x108;
	s8 =	sld [smem:$0x3FB2]  }
0x2e: {  	s3 =	simm.s32 @!p0 $0x1082;
	s9 =	sld [smem:$0x3FB3]  }
0x2f: {  	lr =	sadd.s32 s0, s3;
	s0 =	sld [smem:$0x3FAA]  }
0x30: {  	s3 =	sld [smem:$0x3FAD]  }
0x31: {  	[smem:$0x3FB6] =	sst s10  }
0x32: {  	s10 =	sld [smem:$0x3FB4];
	_ =	sdelay $0x3  }
0x33: {  	p0 =	seq.s32 s10, $0x1;
	s10 =	sld [smem:$0x3FB6];
	_ =	sdelay $0x3  }
0x34: {  	[smem:$0x3FB6] =	sst s10  }
0x35: {  	s10 =	sld [smem:$0x3FB5];
	_ =	sdelay $0x3  }
0x36: {  	p1 =	seq.s32 s10, $0x1;
	s10 =	sld [smem:$0x3FB6];
	_ =	sdelay $0x3  }
0x37: {  	[smem:$0x3FB6] =	sst s10  }
0x38: {  	s10 =	sld [smem:$0x3FB7]  }
0x39: {  	_ = 	snop;
	(pc) =	sbr.ind lr, $3  }
0x3a: {  	_ = 	snop  }
0x3b: {  	_ = 	snop  }
0x3c: {  	p2 =	seq.s32 s10, $0x1;
	s10 =	sld [smem:$0x3FB6]  }
0x3d: {  	_ =	shalt  }
0x3e: {  	_ =	shalt  }
0x3f: {  	_ =	shalt  }
0x40: {  	_ =	shalt  }
0x41: {  	_ =	shalt  }
0x42: {  	_ =	shalt  }
0x43: {  	_ =	shalt  }
0x44: {  	_ =	shalt  }
0x45: {  	_ =	shalt  }
0x46: {  	_ =	shalt  }
0x47: {  	_ =	shalt  }
0x48: {  	_ =	shalt  }
0x49: {  	_ =	shalt  }
0x4a: {  	_ =	shalt  }
0x4b: {  	_ =	shalt  }
0x4c: {  	_ =	shalt  }
0x4d: {  	_ =	shalt  }
0x4e: {  	_ =	shalt  }
0x4f: {  	_ =	shalt  }
0x50: {  	_ =	shalt  }
0x51: {  	_ =	shalt  }
0x52: {  	_ =	shalt  }
0x53: {  	_ =	shalt  }
0x54: {  	_ =	shalt  }
0x55: {  	_ =	shalt  }
0x56: {  	_ =	shalt  }
0x57: {  	_ =	shalt  }
0x58: {  	_ =	shalt  }
0x59: {  	_ =	shalt  }
0x5a: {  	_ =	shalt  }
0x5b: {  	_ =	shalt  }
0x5c: {  	_ =	shalt  }
0x5d: {  	_ =	shalt  }
0x5e: {  	_ =	shalt  }
0x5f: {  	_ =	shalt  }
0x60: {  	_ =	shalt  }
0x61: {  	_ =	shalt  }
0x62: {  	_ =	shalt  }
0x63: {  	_ =	shalt  }
0x64: {  	_ =	shalt  }
0x65: {  	_ =	shalt  }
0x66: {  	_ =	shalt  }
0x67: {  	_ =	shalt  }
0x68: {  	_ =	shalt  }
0x69: {  	_ =	shalt  }
0x6a: {  	_ =	shalt  }
0x6b: {  	_ =	shalt  }
0x6c: {  	_ =	shalt  }
0x6d: {  	_ =	shalt  }
0x6e: {  	_ =	shalt  }
0x6f: {  	_ =	shalt  }
0x70: {  	_ =	shalt  }
0x71: {  	_ =	shalt  }
0x72: {  	_ =	shalt  }
0x73: {  	_ =	shalt  }
0x74: {  	_ =	shalt  }
0x75: {  	_ =	shalt  }
0x76: {  	_ =	shalt  }
0x77: {  	_ =	shalt  }
0x78: {  	_ =	shalt  }
0x79: {  	_ =	shalt  }
0x7a: {  	_ =	shalt  }
0x7b: {  	_ =	shalt  }
0x7c: {  	_ =	shalt  }
0x7d: {  	_ =	shalt  }
0x7e: {  	_ =	shalt  }
0x7f: {  	_ =	shalt  }
0x80: {  	_ =	shalt  }
0x81: {  	_ =	shalt  }
0x82: {  	_ =	shalt  }
0x83: {  	_ =	shalt  }
0x84: {  	_ =	shalt  }
0x85: {  	_ =	shalt  }
0x86: {  	_ =	shalt  }
0x87: {  	_ =	shalt  }
.Lfunc_end0:
.L_simem_size_0:
called_computation_lowered:
.L_overlay_start_0:
0x88: {  	s2 =	sld [smem:$0x3FD9]  }
0x89: {  	s3 =	sld [smem:$0x3FFE];
	_ =	sdelay $0x1  }
0x8a: {  	s1 =	srdreg.scid  }
0x8b: {  	s0 =	sand.u32 $0x1, s1  }
0x8c: {  	s17 =	sshll.u32 s0, $0xA;
	s2 =	sadd.s32 s3, s2  }
0x8d: {  	s2 =	sadd.s32 s2, s17  }
0x8e: {  	[smem:$0x3FC2] =	sst s2  }
0x8f: {  	_ = 	snop  }
0x90: {  	s2 =	sld [smem:$0x3FD0];
	(tm) =	ssettm $0x1  }
0x91: {  	s18 =	sld [smem:$0x3FFB];
	_ =	sdelay $0x3  }
0x92: {  	_ =	strace s18  }
0x93: {  	s3 =	sld [smem:$0x3FFC];
	_ =	sdelay $0x3  }
0x94: {  	_ =	strace s3  }
0x95: {  	s3 =	sld [smem:$0x3FFD];
	_ =	sdelay $0x3  }
0x96: {  	_ =	strace s3  }
0x97: {  	_ =	strace $0x8FFFFFFF  }
0x98: {  	s19 =	sld [smem:$0x3FDB];
	_ =	sdelay $0x1  }
0x99: {  	s4 =	simm.s32 $_scs_section_size  }
0x9a: {  	s5 =	simm.s32 $_size__tile_overlayer_lowered;
	s6 =	simm.s32 $_tile_overlayer_lowered  }
0x9b: {  	s22 =	simm.s32 $0x1BFF;
	s21 =	sshll.u32 s6, $0x1;
	s3 =	sadd.s32 s4, s19  }
0x9c: {  	s7 =	simm.s32 $0x0;
	s20 =	sshll.u32 s5, $0x1;
	s5 =	sadd.s32 s21, s3  }
0x9d: {  	[timem:s7], [sflag:s22] =	dma.local [hbm:s5], s20  }
0x9e: {  	_ =	swait.ge [sflag:s22], s20  }
0x9f: {  	s4 =	ssub.s32 $0x0, s20;
	[sflag:s22] =	ssyncset.done $0x0  }
0xa0: {  	[sflag:s22] =	ssyncadd.s32 s4;
	_ =	sdelay $0x1  }
0xa1: {  	s23 =	simm.s32 $0x1B8B  }
0xa2: {  	_ =	swait.ge [sflag:s23], $0x1  }
0xa3: {  	[sflag:s23] =	ssyncset.done $0x0  }
0xa4: {  	s25 =	simm.s32 $0x1B8E;
	s24 =	sld [smem:$0x3FFE];
	[sflag:s23] =	ssyncadd.s32 $0xFFFFFFFF  }
0xa5: {  	s26 =	simm.s32 $execute0_lowered;
	[smem:$0x3FD2] =	sst s25  }
0xa6: {  	s5 =	sshll.u32 s26, $0x1;
	_ =	strace $0x80000046;
	[dreg:$0x1] =	wrdreg $0xFFFFFFFF  }
0xa7: {  	s28 =	simm.s32 $_size_execute0_lowered;
	s3 =	sadd.s32 s3, s5;
	[dreg:$0x0] =	wrdreg $0x0  }
0xa8: {  	s5 =	sshll.u32 s28, $0x1;
	[dreg:$0x2] =	wrdreg s3  }
0xa9: {  	[dreg:$0x3] =	wrdreg s5  }
0xaa: {  	[dreg:$0x4] =	wrdreg $0xC0  }
0xab: {  	_ =	task [dreg:s7], $0x5FFFF  }
0xac: {  	[dreg:$0x1] =	wrdreg $0xFFFFFFFF  }
0xad: {  	[dreg:$0x0] =	wrdreg $0x60  }
0xae: {  	[dreg:$0x2] =	wrdreg s24  }
0xaf: {  	[dreg:$0x3] =	wrdreg s2  }
0xb0: {  	[dreg:$0x4] =	wrdreg $0xB000  }
0xb1: {  	[dreg:$0x5] =	wrdreg $0x9  }
0xb2: {  	_ =	task.clear_ibuf [dreg:s7], $0x6FFFF;
	_ =	strace $0x90000046  }
0xb3: {  	s29 =	simm.s32 $0x9;
	_ =	strace $0x80000048  }
0xb4: {  	_ =	swait.ge [sflag:s29], $0x1  }
0xb5: {  	[sflag:s29] =	ssyncadd.s32 $0xFFFFFFFF  }
0xb6: {  	_ =	strace $0x90000048  }
0xb7: {  	_ =	sfence  }
0xb8: {  	s30 =	sld [smem:$0x0];
	_ =	sdelay $0x2  }
0xb9: {  	s31 =	sshll.u32 s1, $0xD;
	s1 =	sshrl.u32 s1, $0x2  }
0xba: {  	s3 =	sand.u32 $0x4000, s31;
	s1 =	sadd.s32 s1, s30  }
0xbb: {  	s0 =	sor.u32 s3, s0;
	s1 =	sshll.u32 s1, $0x11  }
0xbc: {  	s0 =	sor.u32 s1, s0  }
0xbd: {  	s0 =	sadd.s32 $0x8F2B, s0  }
0xbe: {  	[sflag:s0] =	ssyncadd.remote.s32 $0x1  }
0xbf: {  	_ =	sfence.sel $0xFFFF  }
0xc0: {  	[dreg:$0x0] =	wrdreg $0xFFFFFFFF;
	(pc) =	sbr.abs _section_cstart, $3  }
0xc1: {  	[dreg:$0x1] =	wrdreg $0xFFFFFFFF  }
0xc2: {  	_ =	task.clear_ibuf [dreg:s7], $0x2FFFF;
	_ =	strace $0x9FFFFFFF  }
0xc3: {  	(tm) =	ssettm $0x7FFFFFFF  }
tec
execute0_lowered:
.L_overlay_start_1:
0x0: {  	(tag) =	ssettag $0x1  }
0x1: {  	s4 =	rddreg [dreg:$0x0]  }
0x2: {  	s10 =	rddreg [dreg:$0x1]  }
0x3: {  	s1 =	rddreg [dreg:$0x2];
	s3 =	simm.s32 $0x0  }
0x4: {  	s5 =	srdreg.scid;
	s0 =	stileid.u32;
	s20 =	simm.s32 $0x180  }
0x5: {  	s21 =	simm.s32 $0x0;
	[smem:$0x7FF] =	sst s3;
	s9 =	sand.u32 $0x1, s5  }
0x6: {  	s11 =	sshll.u32 s0, $0x1;
	s14 =	sadd.s32 $0x2400, s4;
	s12 =	smul.u32 $0x280, s0  }
0x7: {  	s29 =	sshll.u32 s0, $0x9;
	_ =	strace $0x80000047;
	s26 =	ssub.s32 $0x2, s9  }
0x8: {  	s15 =	sor.u32 s9, s11;
	s16 =	smul.u32 $0x2800, s9;
	s17 =	sshll.u32 s9, $0x8  }
0x9: {  	s9 =	ssub.s32 $0x4E2, s11;
	s28 =	sshrl.u32 s26, $0x1;
	s6 =	sshll.u32 s15, $0x5  }
0xa: {  	s4 =	sadd.s32 s12, s1;
	s30 =	sor.u32 s17, s29;
	s17 =	simm.s32 $0x3  }
0xb: {  	s13 =	ssub.s32 s26, s28;
	s8 =	sadd.s32 s14, s6;
	s12 =	sadd.s32 s12, s16  }
0xc: {  	s31 =	sadd.s32 $0x52200, s30;
	s16 =	sadd.s32 $0x52280, s30;
	s5 =	sadd.s32 $0x9C40, s8  }
0xd: {  	s6 =	sadd.s32 $0x9C50, s8;
	s7 =	sadd.s32 $0xA040, s8;
	s8 =	sadd.s32 $0xA050, s8  }
0xe: {  	s12 =	sshrl.u32 s12, $0x3;
	s11 =	smax.u32 s13, $0x1;
	s13 =	sshrl.u32 s31, $0x3  }
0xf: {  	s16 =	sshrl.u32 s16, $0x3;
	s10 =	sadd.s32 s10, s12;
	s12 =	ssub.s32 $0x562, s15  }
0x10: {  	v0 =	vimm.f32 $0.0e+00;
	v1 =	vimm.f32 $1.000000000e+00;
	s13 =	sadd.s32 s13, s14;
	s14 =	sadd.s32 s16, s14;
	s15 =	sor.u32 $0x40, s15  }
.LBB2_1:
0x11: {  	[tilespmem:$0x880] =	vst v0  }
0x12: {  	[tilespmem:$0x890] =	vst v0  }
0x13: {  	[tilespmem:$0x8A0] =	vst v0  }
0x14: {  	[tilespmem:$0x8B0] =	vst v0  }
0x15: {  	[tilespmem:$0x8C0] =	vst v0  }
0x16: {  	[tilespmem:$0x8D0] =	vst v0  }
0x17: {  	[tilespmem:$0x8E0] =	vst v0  }
0x18: {  	[tilespmem:$0x8F0] =	vst v0  }
0x19: {  	[tilespmem:$0x900] =	vst v0  }
0x1a: {  	[tilespmem:$0x910] =	vst v0  }
0x1b: {  	[tilespmem:$0x920] =	vst v0  }
0x1c: {  	[tilespmem:$0x930] =	vst v0  }
0x1d: {  	[tilespmem:$0x940] =	vst v0  }
0x1e: {  	[tilespmem:$0x950] =	vst v0  }
0x1f: {  	[tilespmem:$0x960] =	vst v0  }
0x20: {  	[tilespmem:$0x970] =	vst v0  }
0x21: {  	[tilespmem:$0x980] =	vst v0  }
0x22: {  	[tilespmem:$0x990] =	vst v0  }
0x23: {  	[tilespmem:$0x9A0] =	vst v0  }
0x24: {  	[tilespmem:$0x9B0] =	vst v0  }
0x25: {  	[tilespmem:$0x9C0] =	vst v0  }
0x26: {  	[tilespmem:$0x9D0] =	vst v0  }
0x27: {  	[tilespmem:$0x9E0] =	vst v0  }
0x28: {  	[tilespmem:$0x9F0] =	vst v0  }
0x29: {  	[tilespmem:$0xA00] =	vst v0  }
0x2a: {  	[tilespmem:$0xA10] =	vst v0  }
0x2b: {  	[tilespmem:$0xA20] =	vst v0  }
0x2c: {  	[tilespmem:$0xA30] =	vst v0  }
0x2d: {  	[tilespmem:$0xA40] =	vst v0  }
0x2e: {  	[tilespmem:$0xA50] =	vst v0  }
0x2f: {  	[tilespmem:$0xA60] =	vst v0  }
0x30: {  	[tilespmem:$0xA70] =	vst v0  }
0x31: {  	[tilespmem:$0xA80] =	vst v0  }
0x32: {  	[tilespmem:$0xA90] =	vst v0  }
0x33: {  	[tilespmem:$0xAA0] =	vst v0  }
0x34: {  	[tilespmem:$0xAB0] =	vst v0  }
0x35: {  	[tilespmem:$0xAC0] =	vst v0  }
0x36: {  	[tilespmem:$0xAD0] =	vst v0  }
0x37: {  	[tilespmem:$0xAE0] =	vst v0  }
0x38: {  	[tilespmem:$0xAF0] =	vst v0  }
0x39: {  	[tilespmem:$0x800] =	vst v1  }
0x3a: {  	[tilespmem:$0x810] =	vst v1  }
0x3b: {  	[tilespmem:$0x820] =	vst v1  }
0x3c: {  	[tilespmem:$0x830] =	vst v1  }
0x3d: {  	[tilespmem:$0x840] =	vst v1  }
0x3e: {  	[tilespmem:$0x850] =	vst v1  }
0x3f: {  	[tilespmem:$0x860] =	vst v1  }
0x40: {  	[tilespmem:$0x870] =	vst v1;
	s0 =	simm.s32 $0x880  }
0x41: {  	[spmem:s4] =	stream.linear.scatter [tilespmem:s0], [sflag:$0x3], $0x280, $0x38;
	[tilespmem:$0xD80] =	vst v63  }
0x42: {  	_ =	swait.ge [sflag:s17], $0x280  }
0x43: {  	[sflag:s17] =	ssyncset.done $0x0  }
0x44: {  	[sflag:s17] =	ssyncadd.s32 $0xFFFFFD80  }
0x45: {  	p0 =	por $0x1, $0x1;
	[bflag:$0x0] =	sbarrier.arrive $0xFFFF  }
0x46: {  	[tilespmem:s3], [sflag:$0x1] =	stream.linear.gather [hbm4b:s5+s3], $0x80, $0x38;
	[tilespmem:$0xD80] =	vst v63  }
0x47: {  	s25 =	simm.s32 $0x80;
	p1 =	sle.u32 @!p0 s12, $0x0  }
0x48: {  	[tilespmem:s25], [sflag:$0x1] =	stream.linear.gather [hbm4b:s6+s3], $0x80, $0x38;
	[tilespmem:$0xD80] =	vst v63  }
0x49: {  	s26 =	simm.s32 $0x100;
	p1 =	por p1, p0  }
0x4a: {  	[tilespmem:s26], [sflag:$0x1] =	stream.linear.gather [hbm4b:s7+s3], $0x80, $0x38;
	[tilespmem:$0xD80] =	vst v63  }
0x4b: {  	s22 =	simm.s32 @!p1 $0x2  }
0x4c: {  	[tilespmem:s20], [sflag:$0x1] =	stream.linear.gather [hbm4b:s8+s3], $0x80, $0x38;
	[tilespmem:$0xD80] =	vst v63  }
0x4d: {  	_ =	swait.ge @!p1 [sflag:s22], $0x80  }
0x4e: {  	[sflag:s22] =	ssyncset.done @!p1 $0x0  }
0x4f: {  	[sflag:s22] =	ssyncadd.s32 @!p1 $0xFFFFFF80  }
0x50: {  	_ =	swait.ge @!p1 [sflag:s22], $0x80  }
0x51: {  	p0 =	sle.u32 s9, $0x0;
	[sflag:s22] =	ssyncset.done @!p1 $0x0  }
0x52: {  	s24 =	simm.s32 @!p0 $0x1;
	[sflag:s22] =	ssyncadd.s32 @!p1 $0xFFFFFF80  }
0x53: {  	s23 =	sadd.s32 $0x400, s14;
	_ =	swait.ge @!p0 [sflag:s24], $0x80  }
0x54: {  	s30 =	sadd.s32 $0x0, s15;
	p3 =	por $0x1, $0x1;
	[sflag:s24] =	ssyncset.done @!p0 $0x0  }
0x55: {  	p4 =	sle.u32 @!p3 s12, $0x20;
	s28 =	sand.u32 @!p0 $0x700, s3;
	[sflag:s24] =	ssyncadd.s32 @!p0 $0xFFFFFF80  }
0x56: {  	s29 =	simm.s32 @!p0 $0x80;
	s25 =	simm.s32 @!p0 $0x800;
	_ =	swait.ge @!p0 [sflag:s24], $0x80  }
0x57: {  	s26 =	simm.s32 $0x2;
	p1 =	sgt.u32 s30, $0x4E1;
	[sflag:s24] =	ssyncset.done @!p0 $0x0  }
0x58: {  	s22 =	sadd.s32 $0x400, s13;
	s31 =	simm.s32 @!p1 $0x200;
	[sflag:s24] =	ssyncadd.s32 @!p0 $0xFFFFFF80  }
0x59: {  	[spmem:s1] =	stream.indirect.scatter.add.f32 @!p0 [tilespmem:s25], [sflag:$0x2], $0x1, s28, s29, $0xb8;
	[tilespmem:$0xD80] =	vst v63  }
0x5a: {  	s30 =	simm.s32 @!p1 $0x0;
	s24 =	simm.s32 $0x100;
	s28 =	sor.u32 @!p0 $0x80, s28  }
0x5b: {  	[spmem:s1] =	stream.indirect.scatter.add.f32 @!p0 [tilespmem:s25], [sflag:$0x2], $0x1, s28, s29, $0xb8;
	[tilespmem:$0xD80] =	vst v63  }
0x5c: {  	s25 =	simm.s32 $0x20;
	s29 =	smov.u32 s13;
	s28 =	smov.u32 s14  }
.LBB2_2:
0x5d: {  	p3 =	por p4, p3;
	s31 =	sand.u32 @!p1 $0x700, s31;
	s0 =	smov.u32 s26  }
0x5e: {  	s26 =	sadd.s32 $0x1, s26;
	s2 =	smov.u32 s24;
	s16 =	smov.u32 s25  }
0x5f: {  	[tilespmem:s31], [sflag:$0x1] =	stream.linear.gather @!p1 [hbm4b:s29+s30], $0x80, $0x38;
	[tilespmem:$0xD80] =	vst v63  }
0x60: {  	p0 =	sne.s32 s26, $0x2C;
	s18 =	simm.s32 @!p3 $0x2;
	s29 =	sor.u32 @!p1 $0x80, s31  }
0x61: {  	[tilespmem:s29], [sflag:$0x1] =	stream.linear.gather @!p1 [hbm4b:s28+s30], $0x80, $0x38;
	[tilespmem:$0xD80] =	vst v63  }
0x62: {  	s29 =	smov.u32 s22;
	s28 =	smov.u32 s23;
	_ =	swait.ge @!p3 [sflag:s18], $0x80  }
0x63: {  	[sflag:s18] =	ssyncset.done @!p3 $0x0  }
0x64: {  	[sflag:s18] =	ssyncadd.s32 @!p3 $0xFFFFFF80  }
0x65: {  	_ =	swait.ge @!p3 [sflag:s18], $0x80  }
0x66: {  	p2 =	sge.u32 s25, s9;
	[sflag:s18] =	ssyncset.done @!p3 $0x0  }
0x67: {  	[sflag:s18] =	ssyncadd.s32 @!p3 $0xFFFFFF80;
	s18 =	simm.s32 @!p2 $0x1  }
0x68: {  	_ =	swait.ge @!p2 [sflag:s18], $0x80  }
0x69: {  	s24 =	sadd.s32 $0x100, s24;
	[sflag:s18] =	ssyncset.done @!p2 $0x0  }
0x6a: {  	s22 =	sadd.s32 $0x400, s22;
	s23 =	sadd.s32 $0x400, s23;
	[sflag:s18] =	ssyncadd.s32 @!p2 $0xFFFFFF80  }
0x6b: {  	s25 =	sadd.s32 $0x20, s25;
	s19 =	simm.s32 @!p2 $0x800;
	_ =	swait.ge @!p2 [sflag:s18], $0x80  }
0x6c: {  	s16 =	sadd.s32 s16, s15;
	s30 =	sand.u32 @!p2 $0x700, s2;
	[sflag:s18] =	ssyncset.done @!p2 $0x0  }
.Ltmp0:
0x6d: {  	[sflag:s18] =	ssyncadd.s32 @!p2 $0xFFFFFF80;
	s18 =	simm.s32 @!p2 $0x80;
	(pc) =	sbr.rel @p0 .LBB2_2-.Ltmp0, $4  }
0x6e: {  	[spmem:s1] =	stream.indirect.scatter.add.f32 @!p2 [tilespmem:s19], [sflag:$0x2], $0x1, s30, s18, $0xb8;
	[tilespmem:$0xD80] =	vst v63  }
0x6f: {  	p1 =	sgt.u32 s16, $0x4E1;
	p3 =	slt.u32 s0, $0x4;
	s0 =	sor.u32 @!p2 $0x80, s30  }
0x70: {  	s31 =	sadd.s32 @!p1 $0x200, s2;
	p4 =	sge.u32 @!p3 s25, s12;
	s30 =	simm.s32 @!p1 $0x0  }
0x71: {  	[spmem:s1] =	stream.indirect.scatter.add.f32 @!p2 [tilespmem:s19], [sflag:$0x2], $0x1, s0, s18, $0xb8;
	[tilespmem:$0xD80] =	vst v63  }
0x72: {  	p2 =	por p4, p3;
	s0 =	sand.u32 @!p1 $0x700, s31  }
0x73: {  	[tilespmem:s0], [sflag:$0x1] =	stream.linear.gather @!p1 [hbm4b:s29+s30], $0x80, $0x38;
	[tilespmem:$0xD80] =	vst v63  }
0x74: {  	s2 =	simm.s32 @!p2 $0x2;
	s0 =	sor.u32 @!p1 $0x80, s0  }
0x75: {  	[tilespmem:s0], [sflag:$0x1] =	stream.linear.gather @!p1 [hbm4b:s28+s30], $0x80, $0x38;
	[tilespmem:$0xD80] =	vst v63  }
0x76: {  	_ =	swait.ge @!p2 [sflag:s2], $0x80  }
0x77: {  	[sflag:s2] =	ssyncset.done @!p2 $0x0  }
0x78: {  	[sflag:s2] =	ssyncadd.s32 @!p2 $0xFFFFFF80  }
0x79: {  	_ =	swait.ge @!p2 [sflag:s2], $0x80  }
0x7a: {  	p0 =	sge.u32 s25, s9;
	[sflag:s2] =	ssyncset.done @!p2 $0x0  }
0x7b: {  	s0 =	simm.s32 @!p0 $0x1;
	[sflag:s2] =	ssyncadd.s32 @!p2 $0xFFFFFF80  }
0x7c: {  	_ =	swait.ge @!p0 [sflag:s0], $0x80  }
0x7d: {  	[sflag:s0] =	ssyncset.done @!p0 $0x0  }
0x7e: {  	[sflag:s0] =	ssyncadd.s32 @!p0 $0xFFFFFF80  }
0x7f: {  	s16 =	sadd.s32 s25, s15;
	_ =	swait.ge @!p0 [sflag:s0], $0x80  }
0x80: {  	s18 =	sand.u32 @!p0 $0x700, s24;
	p1 =	sgt.u32 s16, $0x4E1;
	[sflag:s0] =	ssyncset.done @!p0 $0x0  }
0x81: {  	s2 =	simm.s32 @!p0 $0x800;
	[sflag:s0] =	ssyncadd.s32 @!p0 $0xFFFFFF80;
	s0 =	simm.s32 @!p0 $0x80  }
0x82: {  	[spmem:s1] =	stream.indirect.scatter.add.f32 @!p0 [tilespmem:s2], [sflag:$0x2], $0x1, s18, s0, $0xb8;
	[tilespmem:$0xD80] =	vst v63  }
0x83: {  	s16 =	sor.u32 @!p0 $0x80, s18;
	s18 =	sadd.s32 @!p1 $0x200, s24  }
0x84: {  	[spmem:s1] =	stream.indirect.scatter.add.f32 @!p0 [tilespmem:s2], [sflag:$0x2], $0x1, s16, s0, $0xb8;
	[tilespmem:$0xD80] =	vst v63  }
0x85: {  	s0 =	simm.s32 @!p1 $0x0;
	s2 =	sand.u32 @!p1 $0x700, s18  }
0x86: {  	[tilespmem:s2], [sflag:$0x1] =	stream.linear.gather @!p1 [hbm4b:s22+s0], $0x80, $0x38;
	[tilespmem:$0xD80] =	vst v63  }
0x87: {  	s21 =	sadd.s32 $0x1, s21;
	s30 =	stileid.u32;
	s2 =	sor.u32 @!p1 $0x80, s2  }
0x88: {  	[tilespmem:s2], [sflag:$0x1] =	stream.linear.gather @!p1 [hbm4b:s23+s0], $0x80, $0x38;
	[tilespmem:$0xD80] =	vst v63  }
0x89: {  	s31 =	sshrl.u32 s4, $0x3;
	p0 =	sne.s32 s21, s11;
	s0 =	sshll.u32 s30, $0x6  }
.Ltmp1:
0x8a: {  	[bflag:$0x0] =	sbarrier.arrive $0xFFFF;
	s0 =	sor.u32 $0x1C03, s0;
	(pc) =	sbr.rel @p0 .LBB2_1-.Ltmp1, $4  }
0x8b: {  	[hbm:s10], [sflag:s0] =	dma.local [spmem:s31], $0x50  }
0x8c: {  	_ =	swait.ge [sflag:s17], $0x50  }
0x8d: {  	[sflag:s17] =	ssyncset.done $0x0  }
0x8e: {  	[sflag:s17] =	ssyncadd.s32 $0xFFFFFFB0  }
0x8f: {  	_ =	sfence.sel $0x180000  }
0x90: {  	[bflag:$0x0] =	sbarrier.arrive $0xFFFF  }
0x91: {  	_ =	strace $0x90000047  }
0x92: {  	s0 =	stileid.u32;
	[bflag:$0x2] =	sbarrier.arrive $0xFFFF  }
0x93: {  	p0 =	sne.s32 s0, $0x0;
	s0 =	rddreg [dreg:$0x3]  }
0x94: {  	s0 =	sadd.s32 @!p0 $0x100000, s0  }
0x95: {  	[sflag:s0] =	ssyncadd.tile.s32 @!p0 $0x1;
	_ =	shalt  }
.Lfunc_end2:
_tile_overlayer_lowered:
.L_overlay_start_2:
0x96: {  	(tag) =	ssettag $0x2  }
0x97: {  	s0 =	rddreg [dreg:$0x0];
	s2 =	stileid.u32  }
0x98: {  	s1 =	rddreg [dreg:$0x1];
	p0 =	sne.s32 s2, $0x0  }
0x99: {  	s3 =	rddreg [dreg:$0x2];
	[bflag:$0x3] =	sbarrier.arrive $0xFFFF;
	s2 =	simm.s32 @!p0 $0x1C03  }
0x9a: {  	[timem:s3], [sflag:s2] =	dma.local @!p0 [hbm:s0], s1  }
0x9b: {  	s0 =	simm.s32 @!p0 $0x3  }
0x9c: {  	_ =	swait.ge @!p0 [sflag:s0], s1  }
0x9d: {  	s1 =	ssub.s32 @!p0 $0x0, s1;
	[sflag:s0] =	ssyncset.done @!p0 $0x0  }
0x9e: {  	[sflag:s0] =	ssyncadd.s32 @!p0 s1  }
0x9f: {  	[bflag:$0x3] =	sbarrier.arrive $0xFFFF  }
0xa0: {  	_ =	shalt  }

</sc_bundles>
